<compile_context>
chip_gen: v7x
topology: tpu7x:2x2x1
jax: 0.10.2.dev20260603
libtpu: 0.0.44.dev20260713+nightly
codegen_flags: <defaults>
</compile_context>

<pallas_src>
import functools
import math

import jax
import jax.numpy as jnp
from jax import lax
from jax.experimental import pallas as pl
from jax.experimental.pallas import tpu as pltpu
from jax.experimental.pallas import tpu_sc as plsc


def _mask_body(freq_ref, out_ref, *, n_drop):
    fblk = freq_ref[...]
    r, f = fblk.shape
    idx = lax.broadcasted_iota(jnp.int32, (r, f), 1)
    cur = fblk
    drop = jnp.zeros((r, f), jnp.bool_)
    for _ in range(n_drop):
        m = jnp.min(cur, axis=1, keepdims=True)
        ism = cur == m
        pos = jnp.max(jnp.where(ism, idx, -1), axis=1, keepdims=True)
        hit = idx == pos
        drop = jnp.logical_or(drop, hit)
        cur = jnp.where(hit, jnp.float32(jnp.inf), cur)
    mask = jnp.where(drop, jnp.float32(0.0), jnp.float32(1.0))
    ones = jnp.ones((r, 1), jnp.float32)
    out_ref[...] = jnp.concatenate([ones, mask], axis=1)


def _feature_mask(freq, n_drop, block_rows=512):
    b, f = freq.shape
    return pl.pallas_call(
        functools.partial(_mask_body, n_drop=n_drop),
        grid=(b // block_rows,),
        in_specs=[pl.BlockSpec((block_rows, f), lambda i: (i, 0))],
        out_specs=pl.BlockSpec((block_rows, f + 1), lambda i: (i, 0)),
        out_shape=jax.ShapeDtypeStruct((b, f + 1), jnp.float32),
    )(freq)


def _sc_gather(table, ids):
    n, f = table.shape
    (b,) = ids.shape
    info = plsc.get_sparse_core_info()
    nc, ns, nl = info.num_cores, info.num_subcores, info.num_lanes
    nw = nc * ns
    b_per_w = b // nw
    ids2 = ids.reshape(nw, b_per_w)

    mesh = plsc.VectorSubcoreMesh(core_axis_name="c", subcore_axis_name="s")

    @functools.partial(
        pl.kernel,
        mesh=mesh,
        out_type=jax.ShapeDtypeStruct((b, f), jnp.float32),
        scratch_types=[
            pltpu.VMEM((b_per_w,), jnp.int32),
            pltpu.VMEM((b_per_w, f), jnp.float32),
            pltpu.SemaphoreType.DMA,
        ],
    )
    def gather_rows(table_hbm, ids_hbm, out_hbm, idx_v, rows_v, sem):
        wid = lax.axis_index("s") * nc + lax.axis_index("c")
        base = wid * b_per_w
        pltpu.sync_copy(ids_hbm.at[wid], idx_v)

        def issue(blk, carry):
            vec = idx_v[pl.ds(blk * nl, nl)]
            for k in range(nl):
                i = vec[k]
                pltpu.async_copy(table_hbm.at[i], rows_v.at[blk * nl + k], sem)
            return carry

        lax.fori_loop(0, b_per_w // nl, issue, 0)
        pltpu.make_async_copy(out_hbm.at[pl.ds(base, b_per_w)], rows_v, sem).wait()
        pltpu.sync_copy(rows_v, out_hbm.at[pl.ds(base, b_per_w)])

    return gather_rows(table, ids2)


def kernel(x_num, sample_feature_frequency, sample_ids):
    b, f = x_num.shape
    n_remain = min(math.ceil(f * (1.0 - 0.15)), f - 1)
    n_drop = f - n_remain

    freq = _sc_gather(sample_feature_frequency, sample_ids)
    mask = _feature_mask(freq, n_drop)
    return mask[:, :, None]

# --- scband reference (transcript-rebuilt; emitter-appended) ---
"""Pipeline reference for scband-xgbdropout-75831942578427 (READ-ONLY COPY).

The authoritative reference and input builder live on the scoring server;
editing this copy changes nothing except your own understanding.
"""

import jax, jax.numpy as jnp
import numpy as np
import math

DROP_RATE = 0.15
B, F, N = 16384, 100, 1000000

def setup_inputs(seed: int = 0) -> dict:
    key = jax.random.key(seed)
    k1, k2, k3 = jax.random.split(key, 3)
    x_num = jax.random.normal(k1, (B, F), dtype=jnp.float32)
    sample_feature_frequency = jax.random.uniform(k2, (N, F), dtype=jnp.float32)
    sample_ids = jax.random.randint(k3, (B,), 0, N, dtype=jnp.int32)
    return {"x_num": x_num, "sample_feature_frequency": sample_feature_frequency, "sample_ids": sample_ids}

def reference(x_num, sample_feature_frequency, sample_ids):
    # get_z with x_num=(sample_ids, x_num), x_cat=None, stochastic=False, training=True
    x = x_num
    b, f = x.shape
    # count_feature_frequency with sample_ids: cached per-sample GBDT frequency lookup (embedding gather)
    frequency = jnp.take(sample_feature_frequency, sample_ids, axis=0)
    n_remain = min(math.ceil(f * (1.0 - DROP_RATE)), f - 1)
    # non-stochastic: rank features by frequency, descending, keep top n_remain
    freq_rank = jnp.argsort(-frequency, axis=-1)
    used_features = freq_rank[:, :n_remain]
    # feature_mask = zeros, scatter 1 at used_features (scatter-overwrite)
    rows = jnp.arange(b)[:, None]
    feature_mask = jnp.zeros_like(x).at[rows, used_features].set(1.0)
    # F.pad(pad=(1,0,0,0), value=1.0): prepend a column of ones
    feature_mask = jnp.pad(feature_mask, ((0, 0), (1, 0)), constant_values=1.0)
    return feature_mask[:, :, None]

if __name__ == "__main__":
    import jax
    _d = setup_inputs()
    print(jax.jit(kernel)(*tuple(_d.values())))

</pallas_src>

<mosaic_0001>
#map = affine_map<(d0, d1) -> (0, 0)>
module attributes {stable_mosaic.version = 14 : i64} {
  func.func @gather_rows(%arg0: i32, %arg1: i32, %arg2: memref<1000000x100xf32, #tpu.memory_space<hbm>>, %arg3: memref<32x512xi32, #tpu.memory_space<hbm>>, %arg4: memref<16384x100xf32, #tpu.memory_space<hbm>>, %arg5: memref<512xi32, #tpu.memory_space<vmem>>, %arg6: memref<512x100xf32, #tpu.memory_space<vmem>>, %arg7: memref<!tpu.dma_semaphore, #tpu.memory_space<semaphore_mem>>) attributes {dimension_semantics = [#tpu.dimension_semantics<core_parallel>, #tpu.dimension_semantics<subcore_parallel>], iteration_bounds = array<i64: 2, 16>, scalar_prefetch = 0 : i64, scratch_operands = 3 : i64, tpu.core_type = #tpu.core_type<sc_vector_subcore>, window_params = [{transform_indices = #map}, {transform_indices = #map}, {transform_indices = #map}]} {
    %mul3A = arith.constant 2 : i32
    %mul3A_0 = arith.muli %arg1, %mul3A : i32
    %add3A = arith.addi %mul3A_0, %arg0 : i32
    %mul3A_1 = arith.constant 512 : i32
    %mul3A_2 = arith.muli %add3A, %mul3A_1 : i32
    "tpu.region"() ({
      %run_scoped3A = tpu.sem_alloc : memref<!tpu.dma_semaphore, #tpu.memory_space<semaphore_mem>>
      %dma_start3A = arith.constant 0 : i32
      %dma_start3A_11 = tpu.memref_slice %arg3[%add3A, %dma_start3A] : memref<32x512xi32, #tpu.memory_space<hbm>> -> memref<1x512xi32, #tpu.memory_space<hbm>>
      %dma_start3A_12 = tpu.memref_squeeze %dma_start3A_11 : memref<1x512xi32, #tpu.memory_space<hbm>> -> memref<512xi32, #tpu.memory_space<hbm>>
      %dma_start3A_13 = arith.constant 0 : i32
      %dma_start3A_14 = tpu.memref_slice %arg3[%add3A, %dma_start3A_13] : memref<32x512xi32, #tpu.memory_space<hbm>> -> memref<1x512xi32, #tpu.memory_space<hbm>>
      %dma_start3A_15 = tpu.memref_squeeze %dma_start3A_14 : memref<1x512xi32, #tpu.memory_space<hbm>> -> memref<512xi32, #tpu.memory_space<hbm>>
      tpu.enqueue_dma source(%dma_start3A_15 : memref<512xi32, #tpu.memory_space<hbm>>) target(%arg5 : memref<512xi32, #tpu.memory_space<vmem>>) target_semaphore(%run_scoped3A : memref<!tpu.dma_semaphore, #tpu.memory_space<semaphore_mem>>)
      %dma_wait3A_16 = arith.constant 0 : i32
      %dma_wait3A_17 = tpu.memref_slice %arg3[%add3A, %dma_wait3A_16] : memref<32x512xi32, #tpu.memory_space<hbm>> -> memref<1x512xi32, #tpu.memory_space<hbm>>
      %dma_wait3A_18 = tpu.memref_squeeze %dma_wait3A_17 : memref<1x512xi32, #tpu.memory_space<hbm>> -> memref<512xi32, #tpu.memory_space<hbm>>
      %dma_wait3A_19 = arith.constant 0 : i32
      %dma_wait3A_20 = tpu.memref_slice %arg3[%add3A, %dma_wait3A_19] : memref<32x512xi32, #tpu.memory_space<hbm>> -> memref<1x512xi32, #tpu.memory_space<hbm>>
      %dma_wait3A_21 = tpu.memref_squeeze %dma_wait3A_20 : memref<1x512xi32, #tpu.memory_space<hbm>> -> memref<512xi32, #tpu.memory_space<hbm>>
      tpu.wait_dma2 semaphore(%run_scoped3A : memref<!tpu.dma_semaphore, #tpu.memory_space<semaphore_mem>>) src(%dma_wait3A_21 : memref<512xi32, #tpu.memory_space<hbm>>) dst(%arg5 : memref<512xi32, #tpu.memory_space<vmem>>)
      tpu.yield
    }) : () -> ()
    %scan3A = arith.constant 0 : i32
    %scan3A_3 = arith.constant 0 : i32
    %scan3A_4 = arith.constant 32 : i32
    %scan3A_5 = arith.addi %scan3A_3, %scan3A_4 : i32
    %scan3A_6 = arith.constant 1 : i32
    scf.for %scan3A_11 = %scan3A_3 to %scan3A_5 step %scan3A_6  : i32 {
      %mul3A_12 = arith.constant 16 : i32
      %mul3A_13 = arith.muli %scan3A_11, %mul3A_12 : i32
      %get3A = arith.index_cast %mul3A_13 : i32 to index
      %get3A_14 = tpu.vector_load %arg5[%get3A] {strides = array<i32>} : memref<512xi32, #tpu.memory_space<vmem>>, vector<16xi32>,
      %get3A_15 = vector.shape_cast %get3A_14 : vector<16xi32> to vector<16xi32>
      %slice3A = vector.extract_strided_slice %get3A_15 {offsets = [0], sizes = [1], strides = [1]} : vector<16xi32> to vector<1xi32>
      %squeeze3A = vector.extract %slice3A[0] : i32 from vector<1xi32>
      %mul3A_16 = arith.constant 16 : i32
      %mul3A_17 = arith.muli %scan3A_11, %mul3A_16 : i32
      %add3A_18 = arith.constant 0 : i32
      %add3A_19 = arith.addi %mul3A_17, %add3A_18 : i32
      %dma_start3A = arith.constant 0 : i32
      %dma_start3A_20 = tpu.memref_slice %arg6[%add3A_19, %dma_start3A] : memref<512x100xf32, #tpu.memory_space<vmem>> -> memref<1x100xf32, #tpu.memory_space<vmem>>
      %dma_start3A_21 = tpu.memref_squeeze %dma_start3A_20 : memref<1x100xf32, #tpu.memory_space<vmem>> -> memref<100xf32, #tpu.memory_space<vmem>>
      %dma_start3A_22 = arith.constant 0 : i32
      %dma_start3A_23 = tpu.memref_slice %arg2[%squeeze3A, %dma_start3A_22] : memref<1000000x100xf32, #tpu.memory_space<hbm>> -> memref<1x100xf32, #tpu.memory_space<hbm>>
      %dma_start3A_24 = tpu.memref_squeeze %dma_start3A_23 : memref<1x100xf32, #tpu.memory_space<hbm>> -> memref<100xf32, #tpu.memory_space<hbm>>
      %dma_start3A_25 = arith.constant 0 : i32
      %dma_start3A_26 = tpu.memref_slice %arg6[%add3A_19, %dma_start3A_25] : memref<512x100xf32, #tpu.memory_space<vmem>> -> memref<1x100xf32, #tpu.memory_space<vmem>>
      %dma_start3A_27 = tpu.memref_squeeze %dma_start3A_26 : memref<1x100xf32, #tpu.memory_space<vmem>> -> memref<100xf32, #tpu.memory_space<vmem>>
      %dma_start3A_28 = arith.constant 0 : i32
      %dma_start3A_29 = tpu.memref_slice %arg2[%squeeze3A, %dma_start3A_28] : memref<1000000x100xf32, #tpu.memory_space<hbm>> -> memref<1x100xf32, #tpu.memory_space<hbm>>
      %dma_start3A_30 = tpu.memref_squeeze %dma_start3A_29 : memref<1x100xf32, #tpu.memory_space<hbm>> -> memref<100xf32, #tpu.memory_space<hbm>>
      tpu.enqueue_dma source(%dma_start3A_30 : memref<100xf32, #tpu.memory_space<hbm>>) target(%dma_start3A_27 : memref<100xf32, #tpu.memory_space<vmem>>) target_semaphore(%arg7 : memref<!tpu.dma_semaphore, #tpu.memory_space<semaphore_mem>>)
      %slice3A_31 = vector.extract_strided_slice %get3A_15 {offsets = [1], sizes = [1], strides = [1]} : vector<16xi32> to vector<1xi32>
      %squeeze3A_32 = vector.extract %slice3A_31[0] : i32 from vector<1xi32>
      %mul3A_33 = arith.constant 16 : i32
      %mul3A_34 = arith.muli %scan3A_11, %mul3A_33 : i32
      %add3A_35 = arith.constant 1 : i32
      %add3A_36 = arith.addi %mul3A_34, %add3A_35 : i32
      %dma_start3A_37 = arith.constant 0 : i32
      %dma_start3A_38 = tpu.memref_slice %arg6[%add3A_36, %dma_start3A_37] : memref<512x100xf32, #tpu.memory_space<vmem>> -> memref<1x100xf32, #tpu.memory_space<vmem>>
      %dma_start3A_39 = tpu.memref_squeeze %dma_start3A_38 : memref<1x100xf32, #tpu.memory_space<vmem>> -> memref<100xf32, #tpu.memory_space<vmem>>
      %dma_start3A_40 = arith.constant 0 : i32
      %dma_start3A_41 = tpu.memref_slice %arg2[%squeeze3A_32, %dma_start3A_40] : memref<1000000x100xf32, #tpu.memory_space<hbm>> -> memref<1x100xf32, #tpu.memory_space<hbm>>
      %dma_start3A_42 = tpu.memref_squeeze %dma_start3A_41 : memref<1x100xf32, #tpu.memory_space<hbm>> -> memref<100xf32, #tpu.memory_space<hbm>>
      %dma_start3A_43 = arith.constant 0 : i32
      %dma_start3A_44 = tpu.memref_slice %arg6[%add3A_36, %dma_start3A_43] : memref<512x100xf32, #tpu.memory_space<vmem>> -> memref<1x100xf32, #tpu.memory_space<vmem>>
      %dma_start3A_45 = tpu.memref_squeeze %dma_start3A_44 : memref<1x100xf32, #tpu.memory_space<vmem>> -> memref<100xf32, #tpu.memory_space<vmem>>
      %dma_start3A_46 = arith.constant 0 : i32
      %dma_start3A_47 = tpu.memref_slice %arg2[%squeeze3A_32, %dma_start3A_46] : memref<1000000x100xf32, #tpu.memory_space<hbm>> -> memref<1x100xf32, #tpu.memory_space<hbm>>
      %dma_start3A_48 = tpu.memref_squeeze %dma_start3A_47 : memref<1x100xf32, #tpu.memory_space<hbm>> -> memref<100xf32, #tpu.memory_space<hbm>>
      tpu.enqueue_dma source(%dma_start3A_48 : memref<100xf32, #tpu.memory_space<hbm>>) target(%dma_start3A_45 : memref<100xf32, #tpu.memory_space<vmem>>) target_semaphore(%arg7 : memref<!tpu.dma_semaphore, #tpu.memory_space<semaphore_mem>>)
      %slice3A_49 = vector.extract_strided_slice %get3A_15 {offsets = [2], sizes = [1], strides = [1]} : vector<16xi32> to vector<1xi32>
      %squeeze3A_50 = vector.extract %slice3A_49[0] : i32 from vector<1xi32>
      %mul3A_51 = arith.constant 16 : i32
      %mul3A_52 = arith.muli %scan3A_11, %mul3A_51 : i32
      %add3A_53 = arith.constant 2 : i32
      %add3A_54 = arith.addi %mul3A_52, %add3A_53 : i32
      %dma_start3A_55 = arith.constant 0 : i32
      %dma_start3A_56 = tpu.memref_slice %arg6[%add3A_54, %dma_start3A_55] : memref<512x100xf32, #tpu.memory_space<vmem>> -> memref<1x100xf32, #tpu.memory_space<vmem>>
      %dma_start3A_57 = tpu.memref_squeeze %dma_start3A_56 : memref<1x100xf32, #tpu.memory_space<vmem>> -> memref<100xf32, #tpu.memory_space<vmem>>
      %dma_start3A_58 = arith.constant 0 : i32
      %dma_start3A_59 = tpu.memref_slice %arg2[%squeeze3A_50, %dma_start3A_58] : memref<1000000x100xf32, #tpu.memory_space<hbm>> -> memref<1x100xf32, #tpu.memory_space<hbm>>
      %dma_start3A_60 = tpu.memref_squeeze %dma_start3A_59 : memref<1x100xf32, #tpu.memory_space<hbm>> -> memref<100xf32, #tpu.memory_space<hbm>>
      %dma_start3A_61 = arith.constant 0 : i32
      %dma_start3A_62 = tpu.memref_slice %arg6[%add3A_54, %dma_start3A_61] : memref<512x100xf32, #tpu.memory_space<vmem>> -> memref<1x100xf32, #tpu.memory_space<vmem>>
      %dma_start3A_63 = tpu.memref_squeeze %dma_start3A_62 : memref<1x100xf32, #tpu.memory_space<vmem>> -> memref<100xf32, #tpu.memory_space<vmem>>
      %dma_start3A_64 = arith.constant 0 : i32
      %dma_start3A_65 = tpu.memref_slice %arg2[%squeeze3A_50, %dma_start3A_64] : memref<1000000x100xf32, #tpu.memory_space<hbm>> -> memref<1x100xf32, #tpu.memory_space<hbm>>
      %dma_start3A_66 = tpu.memref_squeeze %dma_start3A_65 : memref<1x100xf32, #tpu.memory_space<hbm>> -> memref<100xf32, #tpu.memory_space<hbm>>
      tpu.enqueue_dma source(%dma_start3A_66 : memref<100xf32, #tpu.memory_space<hbm>>) target(%dma_start3A_63 : memref<100xf32, #tpu.memory_space<vmem>>) target_semaphore(%arg7 : memref<!tpu.dma_semaphore, #tpu.memory_space<semaphore_mem>>)
      %slice3A_67 = vector.extract_strided_slice %get3A_15 {offsets = [3], sizes = [1], strides = [1]} : vector<16xi32> to vector<1xi32>
      %squeeze3A_68 = vector.extract %slice3A_67[0] : i32 from vector<1xi32>
      %mul3A_69 = arith.constant 16 : i32
      %mul3A_70 = arith.muli %scan3A_11, %mul3A_69 : i32
      %add3A_71 = arith.constant 3 : i32
      %add3A_72 = arith.addi %mul3A_70, %add3A_71 : i32
      %dma_start3A_73 = arith.constant 0 : i32
      %dma_start3A_74 = tpu.memref_slice %arg6[%add3A_72, %dma_start3A_73] : memref<512x100xf32, #tpu.memory_space<vmem>> -> memref<1x100xf32, #tpu.memory_space<vmem>>
      %dma_start3A_75 = tpu.memref_squeeze %dma_start3A_74 : memref<1x100xf32, #tpu.memory_space<vmem>> -> memref<100xf32, #tpu.memory_space<vmem>>
      %dma_start3A_76 = arith.constant 0 : i32
      %dma_start3A_77 = tpu.memref_slice %arg2[%squeeze3A_68, %dma_start3A_76] : memref<1000000x100xf32, #tpu.memory_space<hbm>> -> memref<1x100xf32, #tpu.memory_space<hbm>>
      %dma_start3A_78 = tpu.memref_squeeze %dma_start3A_77 : memref<1x100xf32, #tpu.memory_space<hbm>> -> memref<100xf32, #tpu.memory_space<hbm>>
      %dma_start3A_79 = arith.constant 0 : i32
      %dma_start3A_80 = tpu.memref_slice %arg6[%add3A_72, %dma_start3A_79] : memref<512x100xf32, #tpu.memory_space<vmem>> -> memref<1x100xf32, #tpu.memory_space<vmem>>
      %dma_start3A_81 = tpu.memref_squeeze %dma_start3A_80 : memref<1x100xf32, #tpu.memory_space<vmem>> -> memref<100xf32, #tpu.memory_space<vmem>>
      %dma_start3A_82 = arith.constant 0 : i32
      %dma_start3A_83 = tpu.memref_slice %arg2[%squeeze3A_68, %dma_start3A_82] : memref<1000000x100xf32, #tpu.memory_space<hbm>> -> memref<1x100xf32, #tpu.memory_space<hbm>>
      %dma_start3A_84 = tpu.memref_squeeze %dma_start3A_83 : memref<1x100xf32, #tpu.memory_space<hbm>> -> memref<100xf32, #tpu.memory_space<hbm>>
      tpu.enqueue_dma source(%dma_start3A_84 : memref<100xf32, #tpu.memory_space<hbm>>) target(%dma_start3A_81 : memref<100xf32, #tpu.memory_space<vmem>>) target_semaphore(%arg7 : memref<!tpu.dma_semaphore, #tpu.memory_space<semaphore_mem>>)
      %slice3A_85 = vector.extract_strided_slice %get3A_15 {offsets = [4], sizes = [1], strides = [1]} : vector<16xi32> to vector<1xi32>
      %squeeze3A_86 = vector.extract %slice3A_85[0] : i32 from vector<1xi32>
      %mul3A_87 = arith.constant 16 : i32
      %mul3A_88 = arith.muli %scan3A_11, %mul3A_87 : i32
      %add3A_89 = arith.constant 4 : i32
      %add3A_90 = arith.addi %mul3A_88, %add3A_89 : i32
      %dma_start3A_91 = arith.constant 0 : i32
      %dma_start3A_92 = tpu.memref_slice %arg6[%add3A_90, %dma_start3A_91] : memref<512x100xf32, #tpu.memory_space<vmem>> -> memref<1x100xf32, #tpu.memory_space<vmem>>
      %dma_start3A_93 = tpu.memref_squeeze %dma_start3A_92 : memref<1x100xf32, #tpu.memory_space<vmem>> -> memref<100xf32, #tpu.memory_space<vmem>>
      %dma_start3A_94 = arith.constant 0 : i32
      %dma_start3A_95 = tpu.memref_slice %arg2[%squeeze3A_86, %dma_start3A_94] : memref<1000000x100xf32, #tpu.memory_space<hbm>> -> memref<1x100xf32, #tpu.memory_space<hbm>>
      %dma_start3A_96 = tpu.memref_squeeze %dma_start3A_95 : memref<1x100xf32, #tpu.memory_space<hbm>> -> memref<100xf32, #tpu.memory_space<hbm>>
      %dma_start3A_97 = arith.constant 0 : i32
      %dma_start3A_98 = tpu.memref_slice %arg6[%add3A_90, %dma_start3A_97] : memref<512x100xf32, #tpu.memory_space<vmem>> -> memref<1x100xf32, #tpu.memory_space<vmem>>
      %dma_start3A_99 = tpu.memref_squeeze %dma_start3A_98 : memref<1x100xf32, #tpu.memory_space<vmem>> -> memref<100xf32, #tpu.memory_space<vmem>>
      %dma_start3A_100 = arith.constant 0 : i32
      %dma_start3A_101 = tpu.memref_slice %arg2[%squeeze3A_86, %dma_start3A_100] : memref<1000000x100xf32, #tpu.memory_space<hbm>> -> memref<1x100xf32, #tpu.memory_space<hbm>>
      %dma_start3A_102 = tpu.memref_squeeze %dma_start3A_101 : memref<1x100xf32, #tpu.memory_space<hbm>> -> memref<100xf32, #tpu.memory_space<hbm>>
      tpu.enqueue_dma source(%dma_start3A_102 : memref<100xf32, #tpu.memory_space<hbm>>) target(%dma_start3A_99 : memref<100xf32, #tpu.memory_space<vmem>>) target_semaphore(%arg7 : memref<!tpu.dma_semaphore, #tpu.memory_space<semaphore_mem>>)
      %slice3A_103 = vector.extract_strided_slice %get3A_15 {offsets = [5], sizes = [1], strides = [1]} : vector<16xi32> to vector<1xi32>
      %squeeze3A_104 = vector.extract %slice3A_103[0] : i32 from vector<1xi32>
      %mul3A_105 = arith.constant 16 : i32
      %mul3A_106 = arith.muli %scan3A_11, %mul3A_105 : i32
      %add3A_107 = arith.constant 5 : i32
      %add3A_108 = arith.addi %mul3A_106, %add3A_107 : i32
      %dma_start3A_109 = arith.constant 0 : i32
      %dma_start3A_110 = tpu.memref_slice %arg6[%add3A_108, %dma_start3A_109] : memref<512x100xf32, #tpu.memory_space<vmem>> -> memref<1x100xf32, #tpu.memory_space<vmem>>
      %dma_start3A_111 = tpu.memref_squeeze %dma_start3A_110 : memref<1x100xf32, #tpu.memory_space<vmem>> -> memref<100xf32, #tpu.memory_space<vmem>>
      %dma_start3A_112 = arith.constant 0 : i32
      %dma_start3A_113 = tpu.memref_slice %arg2[%squeeze3A_104, %dma_start3A_112] : memref<1000000x100xf32, #tpu.memory_space<hbm>> -> memref<1x100xf32, #tpu.memory_space<hbm>>
      %dma_start3A_114 = tpu.memref_squeeze %dma_start3A_113 : memref<1x100xf32, #tpu.memory_space<hbm>> -> memref<100xf32, #tpu.memory_space<hbm>>
      %dma_start3A_115 = arith.constant 0 : i32
      %dma_start3A_116 = tpu.memref_slice %arg6[%add3A_108, %dma_start3A_115] : memref<512x100xf32, #tpu.memory_space<vmem>> -> memref<1x100xf32, #tpu.memory_space<vmem>>
      %dma_start3A_117 = tpu.memref_squeeze %dma_start3A_116 : memref<1x100xf32, #tpu.memory_space<vmem>> -> memref<100xf32, #tpu.memory_space<vmem>>
      %dma_start3A_118 = arith.constant 0 : i32
      %dma_start3A_119 = tpu.memref_slice %arg2[%squeeze3A_104, %dma_start3A_118] : memref<1000000x100xf32, #tpu.memory_space<hbm>> -> memref<1x100xf32, #tpu.memory_space<hbm>>
      %dma_start3A_120 = tpu.memref_squeeze %dma_start3A_119 : memref<1x100xf32, #tpu.memory_space<hbm>> -> memref<100xf32, #tpu.memory_space<hbm>>
      tpu.enqueue_dma source(%dma_start3A_120 : memref<100xf32, #tpu.memory_space<hbm>>) target(%dma_start3A_117 : memref<100xf32, #tpu.memory_space<vmem>>) target_semaphore(%arg7 : memref<!tpu.dma_semaphore, #tpu.memory_space<semaphore_mem>>)
      %slice3A_121 = vector.extract_strided_slice %get3A_15 {offsets = [6], sizes = [1], strides = [1]} : vector<16xi32> to vector<1xi32>
      %squeeze3A_122 = vector.extract %slice3A_121[0] : i32 from vector<1xi32>
      %mul3A_123 = arith.constant 16 : i32
      %mul3A_124 = arith.muli %scan3A_11, %mul3A_123 : i32
      %add3A_125 = arith.constant 6 : i32
      %add3A_126 = arith.addi %mul3A_124, %add3A_125 : i32
      %dma_start3A_127 = arith.constant 0 : i32
      %dma_start3A_128 = tpu.memref_slice %arg6[%add3A_126, %dma_start3A_127] : memref<512x100xf32, #tpu.memory_space<vmem>> -> memref<1x100xf32, #tpu.memory_space<vmem>>
      %dma_start3A_129 = tpu.memref_squeeze %dma_start3A_128 : memref<1x100xf32, #tpu.memory_space<vmem>> -> memref<100xf32, #tpu.memory_space<vmem>>
      %dma_start3A_130 = arith.constant 0 : i32
      %dma_start3A_131 = tpu.memref_slice %arg2[%squeeze3A_122, %dma_start3A_130] : memref<1000000x100xf32, #tpu.memory_space<hbm>> -> memref<1x100xf32, #tpu.memory_space<hbm>>
      %dma_start3A_132 = tpu.memref_squeeze %dma_start3A_131 : memref<1x100xf32, #tpu.memory_space<hbm>> -> memref<100xf32, #tpu.memory_space<hbm>>
      %dma_start3A_133 = arith.constant 0 : i32
      %dma_start3A_134 = tpu.memref_slice %arg6[%add3A_126, %dma_start3A_133] : memref<512x100xf32, #tpu.memory_space<vmem>> -> memref<1x100xf32, #tpu.memory_space<vmem>>
      %dma_start3A_135 = tpu.memref_squeeze %dma_start3A_134 : memref<1x100xf32, #tpu.memory_space<vmem>> -> memref<100xf32, #tpu.memory_space<vmem>>
      %dma_start3A_136 = arith.constant 0 : i32
      %dma_start3A_137 = tpu.memref_slice %arg2[%squeeze3A_122, %dma_start3A_136] : memref<1000000x100xf32, #tpu.memory_space<hbm>> -> memref<1x100xf32, #tpu.memory_space<hbm>>
      %dma_start3A_138 = tpu.memref_squeeze %dma_start3A_137 : memref<1x100xf32, #tpu.memory_space<hbm>> -> memref<100xf32, #tpu.memory_space<hbm>>
      tpu.enqueue_dma source(%dma_start3A_138 : memref<100xf32, #tpu.memory_space<hbm>>) target(%dma_start3A_135 : memref<100xf32, #tpu.memory_space<vmem>>) target_semaphore(%arg7 : memref<!tpu.dma_semaphore, #tpu.memory_space<semaphore_mem>>)
      %slice3A_139 = vector.extract_strided_slice %get3A_15 {offsets = [7], sizes = [1], strides = [1]} : vector<16xi32> to vector<1xi32>
      %squeeze3A_140 = vector.extract %slice3A_139[0] : i32 from vector<1xi32>
      %mul3A_141 = arith.constant 16 : i32
      %mul3A_142 = arith.muli %scan3A_11, %mul3A_141 : i32
      %add3A_143 = arith.constant 7 : i32
      %add3A_144 = arith.addi %mul3A_142, %add3A_143 : i32
      %dma_start3A_145 = arith.constant 0 : i32
      %dma_start3A_146 = tpu.memref_slice %arg6[%add3A_144, %dma_start3A_145] : memref<512x100xf32, #tpu.memory_space<vmem>> -> memref<1x100xf32, #tpu.memory_space<vmem>>
      %dma_start3A_147 = tpu.memref_squeeze %dma_start3A_146 : memref<1x100xf32, #tpu.memory_space<vmem>> -> memref<100xf32, #tpu.memory_space<vmem>>
      %dma_start3A_148 = arith.constant 0 : i32
      %dma_start3A_149 = tpu.memref_slice %arg2[%squeeze3A_140, %dma_start3A_148] : memref<1000000x100xf32, #tpu.memory_space<hbm>> -> memref<1x100xf32, #tpu.memory_space<hbm>>
      %dma_start3A_150 = tpu.memref_squeeze %dma_start3A_149 : memref<1x100xf32, #tpu.memory_space<hbm>> -> memref<100xf32, #tpu.memory_space<hbm>>
      %dma_start3A_151 = arith.constant 0 : i32
      %dma_start3A_152 = tpu.memref_slice %arg6[%add3A_144, %dma_start3A_151] : memref<512x100xf32, #tpu.memory_space<vmem>> -> memref<1x100xf32, #tpu.memory_space<vmem>>
      %dma_start3A_153 = tpu.memref_squeeze %dma_start3A_152 : memref<1x100xf32, #tpu.memory_space<vmem>> -> memref<100xf32, #tpu.memory_space<vmem>>
      %dma_start3A_154 = arith.constant 0 : i32
      %dma_start3A_155 = tpu.memref_slice %arg2[%squeeze3A_140, %dma_start3A_154] : memref<1000000x100xf32, #tpu.memory_space<hbm>> -> memref<1x100xf32, #tpu.memory_space<hbm>>
      %dma_start3A_156 = tpu.memref_squeeze %dma_start3A_155 : memref<1x100xf32, #tpu.memory_space<hbm>> -> memref<100xf32, #tpu.memory_space<hbm>>
      tpu.enqueue_dma source(%dma_start3A_156 : memref<100xf32, #tpu.memory_space<hbm>>) target(%dma_start3A_153 : memref<100xf32, #tpu.memory_space<vmem>>) target_semaphore(%arg7 : memref<!tpu.dma_semaphore, #tpu.memory_space<semaphore_mem>>)
      %slice3A_157 = vector.extract_strided_slice %get3A_15 {offsets = [8], sizes = [1], strides = [1]} : vector<16xi32> to vector<1xi32>
      %squeeze3A_158 = vector.extract %slice3A_157[0] : i32 from vector<1xi32>
      %mul3A_159 = arith.constant 16 : i32
      %mul3A_160 = arith.muli %scan3A_11, %mul3A_159 : i32
      %add3A_161 = arith.constant 8 : i32
      %add3A_162 = arith.addi %mul3A_160, %add3A_161 : i32
      %dma_start3A_163 = arith.constant 0 : i32
      %dma_start3A_164 = tpu.memref_slice %arg6[%add3A_162, %dma_start3A_163] : memref<512x100xf32, #tpu.memory_space<vmem>> -> memref<1x100xf32, #tpu.memory_space<vmem>>
      %dma_start3A_165 = tpu.memref_squeeze %dma_start3A_164 : memref<1x100xf32, #tpu.memory_space<vmem>> -> memref<100xf32, #tpu.memory_space<vmem>>
      %dma_start3A_166 = arith.constant 0 : i32
      %dma_start3A_167 = tpu.memref_slice %arg2[%squeeze3A_158, %dma_start3A_166] : memref<1000000x100xf32, #tpu.memory_space<hbm>> -> memref<1x100xf32, #tpu.memory_space<hbm>>
      %dma_start3A_168 = tpu.memref_squeeze %dma_start3A_167 : memref<1x100xf32, #tpu.memory_space<hbm>> -> memref<100xf32, #tpu.memory_space<hbm>>
      %dma_start3A_169 = arith.constant 0 : i32
      %dma_start3A_170 = tpu.memref_slice %arg6[%add3A_162, %dma_start3A_169] : memref<512x100xf32, #tpu.memory_space<vmem>> -> memref<1x100xf32, #tpu.memory_space<vmem>>
      %dma_start3A_171 = tpu.memref_squeeze %dma_start3A_170 : memref<1x100xf32, #tpu.memory_space<vmem>> -> memref<100xf32, #tpu.memory_space<vmem>>
      %dma_start3A_172 = arith.constant 0 : i32
      %dma_start3A_173 = tpu.memref_slice %arg2[%squeeze3A_158, %dma_start3A_172] : memref<1000000x100xf32, #tpu.memory_space<hbm>> -> memref<1x100xf32, #tpu.memory_space<hbm>>
      %dma_start3A_174 = tpu.memref_squeeze %dma_start3A_173 : memref<1x100xf32, #tpu.memory_space<hbm>> -> memref<100xf32, #tpu.memory_space<hbm>>
      tpu.enqueue_dma source(%dma_start3A_174 : memref<100xf32, #tpu.memory_space<hbm>>) target(%dma_start3A_171 : memref<100xf32, #tpu.memory_space<vmem>>) target_semaphore(%arg7 : memref<!tpu.dma_semaphore, #tpu.memory_space<semaphore_mem>>)
      %slice3A_175 = vector.extract_strided_slice %get3A_15 {offsets = [9], sizes = [1], strides = [1]} : vector<16xi32> to vector<1xi32>
      %squeeze3A_176 = vector.extract %slice3A_175[0] : i32 from vector<1xi32>
      %mul3A_177 = arith.constant 16 : i32
      %mul3A_178 = arith.muli %scan3A_11, %mul3A_177 : i32
      %add3A_179 = arith.constant 9 : i32
      %add3A_180 = arith.addi %mul3A_178, %add3A_179 : i32
      %dma_start3A_181 = arith.constant 0 : i32
      %dma_start3A_182 = tpu.memref_slice %arg6[%add3A_180, %dma_start3A_181] : memref<512x100xf32, #tpu.memory_space<vmem>> -> memref<1x100xf32, #tpu.memory_space<vmem>>
      %dma_start3A_183 = tpu.memref_squeeze %dma_start3A_182 : memref<1x100xf32, #tpu.memory_space<vmem>> -> memref<100xf32, #tpu.memory_space<vmem>>
      %dma_start3A_184 = arith.constant 0 : i32
      %dma_start3A_185 = tpu.memref_slice %arg2[%squeeze3A_176, %dma_start3A_184] : memref<1000000x100xf32, #tpu.memory_space<hbm>> -> memref<1x100xf32, #tpu.memory_space<hbm>>
      %dma_start3A_186 = tpu.memref_squeeze %dma_start3A_185 : memref<1x100xf32, #tpu.memory_space<hbm>> -> memref<100xf32, #tpu.memory_space<hbm>>
      %dma_start3A_187 = arith.constant 0 : i32
      %dma_start3A_188 = tpu.memref_slice %arg6[%add3A_180, %dma_start3A_187] : memref<512x100xf32, #tpu.memory_space<vmem>> -> memref<1x100xf32, #tpu.memory_space<vmem>>
      %dma_start3A_189 = tpu.memref_squeeze %dma_start3A_188 : memref<1x100xf32, #tpu.memory_space<vmem>> -> memref<100xf32, #tpu.memory_space<vmem>>
      %dma_start3A_190 = arith.constant 0 : i32
      %dma_start3A_191 = tpu.memref_slice %arg2[%squeeze3A_176, %dma_start3A_190] : memref<1000000x100xf32, #tpu.memory_space<hbm>> -> memref<1x100xf32, #tpu.memory_space<hbm>>
      %dma_start3A_192 = tpu.memref_squeeze %dma_start3A_191 : memref<1x100xf32, #tpu.memory_space<hbm>> -> memref<100xf32, #tpu.memory_space<hbm>>
      tpu.enqueue_dma source(%dma_start3A_192 : memref<100xf32, #tpu.memory_space<hbm>>) target(%dma_start3A_189 : memref<100xf32, #tpu.memory_space<vmem>>) target_semaphore(%arg7 : memref<!tpu.dma_semaphore, #tpu.memory_space<semaphore_mem>>)
      %slice3A_193 = vector.extract_strided_slice %get3A_15 {offsets = [10], sizes = [1], strides = [1]} : vector<16xi32> to vector<1xi32>
      %squeeze3A_194 = vector.extract %slice3A_193[0] : i32 from vector<1xi32>
      %mul3A_195 = arith.constant 16 : i32
      %mul3A_196 = arith.muli %scan3A_11, %mul3A_195 : i32
      %add3A_197 = arith.constant 10 : i32
      %add3A_198 = arith.addi %mul3A_196, %add3A_197 : i32
      %dma_start3A_199 = arith.constant 0 : i32
      %dma_start3A_200 = tpu.memref_slice %arg6[%add3A_198, %dma_start3A_199] : memref<512x100xf32, #tpu.memory_space<vmem>> -> memref<1x100xf32, #tpu.memory_space<vmem>>
      %dma_start3A_201 = tpu.memref_squeeze %dma_start3A_200 : memref<1x100xf32, #tpu.memory_space<vmem>> -> memref<100xf32, #tpu.memory_space<vmem>>
      %dma_start3A_202 = arith.constant 0 : i32
      %dma_start3A_203 = tpu.memref_slice %arg2[%squeeze3A_194, %dma_start3A_202] : memref<1000000x100xf32, #tpu.memory_space<hbm>> -> memref<1x100xf32, #tpu.memory_space<hbm>>
      %dma_start3A_204 = tpu.memref_squeeze %dma_start3A_203 : memref<1x100xf32, #tpu.memory_space<hbm>> -> memref<100xf32, #tpu.memory_space<hbm>>
      %dma_start3A_205 = arith.constant 0 : i32
      %dma_start3A_206 = tpu.memref_slice %arg6[%add3A_198, %dma_start3A_205] : memref<512x100xf32, #tpu.memory_space<vmem>> -> memref<1x100xf32, #tpu.memory_space<vmem>>
      %dma_start3A_207 = tpu.memref_squeeze %dma_start3A_206 : memref<1x100xf32, #tpu.memory_space<vmem>> -> memref<100xf32, #tpu.memory_space<vmem>>
      %dma_start3A_208 = arith.constant 0 : i32
      %dma_start3A_209 = tpu.memref_slice %arg2[%squeeze3A_194, %dma_start3A_208] : memref<1000000x100xf32, #tpu.memory_space<hbm>> -> memref<1x100xf32, #tpu.memory_space<hbm>>
      %dma_start3A_210 = tpu.memref_squeeze %dma_start3A_209 : memref<1x100xf32, #tpu.memory_space<hbm>> -> memref<100xf32, #tpu.memory_space<hbm>>
      tpu.enqueue_dma source(%dma_start3A_210 : memref<100xf32, #tpu.memory_space<hbm>>) target(%dma_start3A_207 : memref<100xf32, #tpu.memory_space<vmem>>) target_semaphore(%arg7 : memref<!tpu.dma_semaphore, #tpu.memory_space<semaphore_mem>>)
      %slice3A_211 = vector.extract_strided_slice %get3A_15 {offsets = [11], sizes = [1], strides = [1]} : vector<16xi32> to vector<1xi32>
      %squeeze3A_212 = vector.extract %slice3A_211[0] : i32 from vector<1xi32>
      %mul3A_213 = arith.constant 16 : i32
      %mul3A_214 = arith.muli %scan3A_11, %mul3A_213 : i32
      %add3A_215 = arith.constant 11 : i32
      %add3A_216 = arith.addi %mul3A_214, %add3A_215 : i32
      %dma_start3A_217 = arith.constant 0 : i32
      %dma_start3A_218 = tpu.memref_slice %arg6[%add3A_216, %dma_start3A_217] : memref<512x100xf32, #tpu.memory_space<vmem>> -> memref<1x100xf32, #tpu.memory_space<vmem>>
      %dma_start3A_219 = tpu.memref_squeeze %dma_start3A_218 : memref<1x100xf32, #tpu.memory_space<vmem>> -> memref<100xf32, #tpu.memory_space<vmem>>
      %dma_start3A_220 = arith.constant 0 : i32
      %dma_start3A_221 = tpu.memref_slice %arg2[%squeeze3A_212, %dma_start3A_220] : memref<1000000x100xf32, #tpu.memory_space<hbm>> -> memref<1x100xf32, #tpu.memory_space<hbm>>
      %dma_start3A_222 = tpu.memref_squeeze %dma_start3A_221 : memref<1x100xf32, #tpu.memory_space<hbm>> -> memref<100xf32, #tpu.memory_space<hbm>>
      %dma_start3A_223 = arith.constant 0 : i32
      %dma_start3A_224 = tpu.memref_slice %arg6[%add3A_216, %dma_start3A_223] : memref<512x100xf32, #tpu.memory_space<vmem>> -> memref<1x100xf32, #tpu.memory_space<vmem>>
      %dma_start3A_225 = tpu.memref_squeeze %dma_start3A_224 : memref<1x100xf32, #tpu.memory_space<vmem>> -> memref<100xf32, #tpu.memory_space<vmem>>
      %dma_start3A_226 = arith.constant 0 : i32
      %dma_start3A_227 = tpu.memref_slice %arg2[%squeeze3A_212, %dma_start3A_226] : memref<1000000x100xf32, #tpu.memory_space<hbm>> -> memref<1x100xf32, #tpu.memory_space<hbm>>
      %dma_start3A_228 = tpu.memref_squeeze %dma_start3A_227 : memref<1x100xf32, #tpu.memory_space<hbm>> -> memref<100xf32, #tpu.memory_space<hbm>>
      tpu.enqueue_dma source(%dma_start3A_228 : memref<100xf32, #tpu.memory_space<hbm>>) target(%dma_start3A_225 : memref<100xf32, #tpu.memory_space<vmem>>) target_semaphore(%arg7 : memref<!tpu.dma_semaphore, #tpu.memory_space<semaphore_mem>>)
      %slice3A_229 = vector.extract_strided_slice %get3A_15 {offsets = [12], sizes = [1], strides = [1]} : vector<16xi32> to vector<1xi32>
      %squeeze3A_230 = vector.extract %slice3A_229[0] : i32 from vector<1xi32>
      %mul3A_231 = arith.constant 16 : i32
      %mul3A_232 = arith.muli %scan3A_11, %mul3A_231 : i32
      %add3A_233 = arith.constant 12 : i32
      %add3A_234 = arith.addi %mul3A_232, %add3A_233 : i32
      %dma_start3A_235 = arith.constant 0 : i32
      %dma_start3A_236 = tpu.memref_slice %arg6[%add3A_234, %dma_start3A_235] : memref<512x100xf32, #tpu.memory_space<vmem>> -> memref<1x100xf32, #tpu.memory_space<vmem>>
      %dma_start3A_237 = tpu.memref_squeeze %dma_start3A_236 : memref<1x100xf32, #tpu.memory_space<vmem>> -> memref<100xf32, #tpu.memory_space<vmem>>
      %dma_start3A_238 = arith.constant 0 : i32
      %dma_start3A_239 = tpu.memref_slice %arg2[%squeeze3A_230, %dma_start3A_238] : memref<1000000x100xf32, #tpu.memory_space<hbm>> -> memref<1x100xf32, #tpu.memory_space<hbm>>
      %dma_start3A_240 = tpu.memref_squeeze %dma_start3A_239 : memref<1x100xf32, #tpu.memory_space<hbm>> -> memref<100xf32, #tpu.memory_space<hbm>>
      %dma_start3A_241 = arith.constant 0 : i32
      %dma_start3A_242 = tpu.memref_slice %arg6[%add3A_234, %dma_start3A_241] : memref<512x100xf32, #tpu.memory_space<vmem>> -> memref<1x100xf32, #tpu.memory_space<vmem>>
      %dma_start3A_243 = tpu.memref_squeeze %dma_start3A_242 : memref<1x100xf32, #tpu.memory_space<vmem>> -> memref<100xf32, #tpu.memory_space<vmem>>
      %dma_start3A_244 = arith.constant 0 : i32
      %dma_start3A_245 = tpu.memref_slice %arg2[%squeeze3A_230, %dma_start3A_244] : memref<1000000x100xf32, #tpu.memory_space<hbm>> -> memref<1x100xf32, #tpu.memory_space<hbm>>
      %dma_start3A_246 = tpu.memref_squeeze %dma_start3A_245 : memref<1x100xf32, #tpu.memory_space<hbm>> -> memref<100xf32, #tpu.memory_space<hbm>>
      tpu.enqueue_dma source(%dma_start3A_246 : memref<100xf32, #tpu.memory_space<hbm>>) target(%dma_start3A_243 : memref<100xf32, #tpu.memory_space<vmem>>) target_semaphore(%arg7 : memref<!tpu.dma_semaphore, #tpu.memory_space<semaphore_mem>>)
      %slice3A_247 = vector.extract_strided_slice %get3A_15 {offsets = [13], sizes = [1], strides = [1]} : vector<16xi32> to vector<1xi32>
      %squeeze3A_248 = vector.extract %slice3A_247[0] : i32 from vector<1xi32>
      %mul3A_249 = arith.constant 16 : i32
      %mul3A_250 = arith.muli %scan3A_11, %mul3A_249 : i32
      %add3A_251 = arith.constant 13 : i32
      %add3A_252 = arith.addi %mul3A_250, %add3A_251 : i32
      %dma_start3A_253 = arith.constant 0 : i32
      %dma_start3A_254 = tpu.memref_slice %arg6[%add3A_252, %dma_start3A_253] : memref<512x100xf32, #tpu.memory_space<vmem>> -> memref<1x100xf32, #tpu.memory_space<vmem>>
      %dma_start3A_255 = tpu.memref_squeeze %dma_start3A_254 : memref<1x100xf32, #tpu.memory_space<vmem>> -> memref<100xf32, #tpu.memory_space<vmem>>
      %dma_start3A_256 = arith.constant 0 : i32
      %dma_start3A_257 = tpu.memref_slice %arg2[%squeeze3A_248, %dma_start3A_256] : memref<1000000x100xf32, #tpu.memory_space<hbm>> -> memref<1x100xf32, #tpu.memory_space<hbm>>
      %dma_start3A_258 = tpu.memref_squeeze %dma_start3A_257 : memref<1x100xf32, #tpu.memory_space<hbm>> -> memref<100xf32, #tpu.memory_space<hbm>>
      %dma_start3A_259 = arith.constant 0 : i32
      %dma_start3A_260 = tpu.memref_slice %arg6[%add3A_252, %dma_start3A_259] : memref<512x100xf32, #tpu.memory_space<vmem>> -> memref<1x100xf32, #tpu.memory_space<vmem>>
      %dma_start3A_261 = tpu.memref_squeeze %dma_start3A_260 : memref<1x100xf32, #tpu.memory_space<vmem>> -> memref<100xf32, #tpu.memory_space<vmem>>
      %dma_start3A_262 = arith.constant 0 : i32
      %dma_start3A_263 = tpu.memref_slice %arg2[%squeeze3A_248, %dma_start3A_262] : memref<1000000x100xf32, #tpu.memory_space<hbm>> -> memref<1x100xf32, #tpu.memory_space<hbm>>
      %dma_start3A_264 = tpu.memref_squeeze %dma_start3A_263 : memref<1x100xf32, #tpu.memory_space<hbm>> -> memref<100xf32, #tpu.memory_space<hbm>>
      tpu.enqueue_dma source(%dma_start3A_264 : memref<100xf32, #tpu.memory_space<hbm>>) target(%dma_start3A_261 : memref<100xf32, #tpu.memory_space<vmem>>) target_semaphore(%arg7 : memref<!tpu.dma_semaphore, #tpu.memory_space<semaphore_mem>>)
      %slice3A_265 = vector.extract_strided_slice %get3A_15 {offsets = [14], sizes = [1], strides = [1]} : vector<16xi32> to vector<1xi32>
      %squeeze3A_266 = vector.extract %slice3A_265[0] : i32 from vector<1xi32>
      %mul3A_267 = arith.constant 16 : i32
      %mul3A_268 = arith.muli %scan3A_11, %mul3A_267 : i32
      %add3A_269 = arith.constant 14 : i32
      %add3A_270 = arith.addi %mul3A_268, %add3A_269 : i32
      %dma_start3A_271 = arith.constant 0 : i32
      %dma_start3A_272 = tpu.memref_slice %arg6[%add3A_270, %dma_start3A_271] : memref<512x100xf32, #tpu.memory_space<vmem>> -> memref<1x100xf32, #tpu.memory_space<vmem>>
      %dma_start3A_273 = tpu.memref_squeeze %dma_start3A_272 : memref<1x100xf32, #tpu.memory_space<vmem>> -> memref<100xf32, #tpu.memory_space<vmem>>
      %dma_start3A_274 = arith.constant 0 : i32
      %dma_start3A_275 = tpu.memref_slice %arg2[%squeeze3A_266, %dma_start3A_274] : memref<1000000x100xf32, #tpu.memory_space<hbm>> -> memref<1x100xf32, #tpu.memory_space<hbm>>
      %dma_start3A_276 = tpu.memref_squeeze %dma_start3A_275 : memref<1x100xf32, #tpu.memory_space<hbm>> -> memref<100xf32, #tpu.memory_space<hbm>>
      %dma_start3A_277 = arith.constant 0 : i32
      %dma_start3A_278 = tpu.memref_slice %arg6[%add3A_270, %dma_start3A_277] : memref<512x100xf32, #tpu.memory_space<vmem>> -> memref<1x100xf32, #tpu.memory_space<vmem>>
      %dma_start3A_279 = tpu.memref_squeeze %dma_start3A_278 : memref<1x100xf32, #tpu.memory_space<vmem>> -> memref<100xf32, #tpu.memory_space<vmem>>
      %dma_start3A_280 = arith.constant 0 : i32
      %dma_start3A_281 = tpu.memref_slice %arg2[%squeeze3A_266, %dma_start3A_280] : memref<1000000x100xf32, #tpu.memory_space<hbm>> -> memref<1x100xf32, #tpu.memory_space<hbm>>
      %dma_start3A_282 = tpu.memref_squeeze %dma_start3A_281 : memref<1x100xf32, #tpu.memory_space<hbm>> -> memref<100xf32, #tpu.memory_space<hbm>>
      tpu.enqueue_dma source(%dma_start3A_282 : memref<100xf32, #tpu.memory_space<hbm>>) target(%dma_start3A_279 : memref<100xf32, #tpu.memory_space<vmem>>) target_semaphore(%arg7 : memref<!tpu.dma_semaphore, #tpu.memory_space<semaphore_mem>>)
      %slice3A_283 = vector.extract_strided_slice %get3A_15 {offsets = [15], sizes = [1], strides = [1]} : vector<16xi32> to vector<1xi32>
      %squeeze3A_284 = vector.extract %slice3A_283[0] : i32 from vector<1xi32>
      %mul3A_285 = arith.constant 16 : i32
      %mul3A_286 = arith.muli %scan3A_11, %mul3A_285 : i32
      %add3A_287 = arith.constant 15 : i32
      %add3A_288 = arith.addi %mul3A_286, %add3A_287 : i32
      %dma_start3A_289 = arith.constant 0 : i32
      %dma_start3A_290 = tpu.memref_slice %arg6[%add3A_288, %dma_start3A_289] : memref<512x100xf32, #tpu.memory_space<vmem>> -> memref<1x100xf32, #tpu.memory_space<vmem>>
      %dma_start3A_291 = tpu.memref_squeeze %dma_start3A_290 : memref<1x100xf32, #tpu.memory_space<vmem>> -> memref<100xf32, #tpu.memory_space<vmem>>
      %dma_start3A_292 = arith.constant 0 : i32
      %dma_start3A_293 = tpu.memref_slice %arg2[%squeeze3A_284, %dma_start3A_292] : memref<1000000x100xf32, #tpu.memory_space<hbm>> -> memref<1x100xf32, #tpu.memory_space<hbm>>
      %dma_start3A_294 = tpu.memref_squeeze %dma_start3A_293 : memref<1x100xf32, #tpu.memory_space<hbm>> -> memref<100xf32, #tpu.memory_space<hbm>>
      %dma_start3A_295 = arith.constant 0 : i32
      %dma_start3A_296 = tpu.memref_slice %arg6[%add3A_288, %dma_start3A_295] : memref<512x100xf32, #tpu.memory_space<vmem>> -> memref<1x100xf32, #tpu.memory_space<vmem>>
      %dma_start3A_297 = tpu.memref_squeeze %dma_start3A_296 : memref<1x100xf32, #tpu.memory_space<vmem>> -> memref<100xf32, #tpu.memory_space<vmem>>
      %dma_start3A_298 = arith.constant 0 : i32
      %dma_start3A_299 = tpu.memref_slice %arg2[%squeeze3A_284, %dma_start3A_298] : memref<1000000x100xf32, #tpu.memory_space<hbm>> -> memref<1x100xf32, #tpu.memory_space<hbm>>
      %dma_start3A_300 = tpu.memref_squeeze %dma_start3A_299 : memref<1x100xf32, #tpu.memory_space<hbm>> -> memref<100xf32, #tpu.memory_space<hbm>>
      tpu.enqueue_dma source(%dma_start3A_300 : memref<100xf32, #tpu.memory_space<hbm>>) target(%dma_start3A_297 : memref<100xf32, #tpu.memory_space<vmem>>) target_semaphore(%arg7 : memref<!tpu.dma_semaphore, #tpu.memory_space<semaphore_mem>>)
    }
    %scan3A_7 = arith.constant 32 : i32
    %dma_wait3A = arith.constant 0 : i32
    %dma_wait3A_8 = tpu.memref_slice %arg4[%mul3A_2, %dma_wait3A] : memref<16384x100xf32, #tpu.memory_space<hbm>> -> memref<512x100xf32, #tpu.memory_space<hbm>>
    %dma_wait3A_9 = arith.constant 0 : i32
    %dma_wait3A_10 = tpu.memref_slice %arg4[%mul3A_2, %dma_wait3A_9] : memref<16384x100xf32, #tpu.memory_space<hbm>> -> memref<512x100xf32, #tpu.memory_space<hbm>>
    tpu.wait_dma2 semaphore(%arg7 : memref<!tpu.dma_semaphore, #tpu.memory_space<semaphore_mem>>) src(%dma_wait3A_10 : memref<512x100xf32, #tpu.memory_space<hbm>>) dst(%arg6 : memref<512x100xf32, #tpu.memory_space<vmem>>)
    "tpu.region"() ({
      %run_scoped3A = tpu.sem_alloc : memref<!tpu.dma_semaphore, #tpu.memory_space<semaphore_mem>>
      %dma_start3A = arith.constant 0 : i32
      %dma_start3A_11 = tpu.memref_slice %arg4[%mul3A_2, %dma_start3A] : memref<16384x100xf32, #tpu.memory_space<hbm>> -> memref<512x100xf32, #tpu.memory_space<hbm>>
      %dma_start3A_12 = arith.constant 0 : i32
      %dma_start3A_13 = tpu.memref_slice %arg4[%mul3A_2, %dma_start3A_12] : memref<16384x100xf32, #tpu.memory_space<hbm>> -> memref<512x100xf32, #tpu.memory_space<hbm>>
      tpu.enqueue_dma source(%arg6 : memref<512x100xf32, #tpu.memory_space<vmem>>) target(%dma_start3A_13 : memref<512x100xf32, #tpu.memory_space<hbm>>) target_semaphore(%run_scoped3A : memref<!tpu.dma_semaphore, #tpu.memory_space<semaphore_mem>>)
      %dma_wait3A_14 = arith.constant 0 : i32
      %dma_wait3A_15 = tpu.memref_slice %arg4[%mul3A_2, %dma_wait3A_14] : memref<16384x100xf32, #tpu.memory_space<hbm>> -> memref<512x100xf32, #tpu.memory_space<hbm>>
      %dma_wait3A_16 = arith.constant 0 : i32
      %dma_wait3A_17 = tpu.memref_slice %arg4[%mul3A_2, %dma_wait3A_16] : memref<16384x100xf32, #tpu.memory_space<hbm>> -> memref<512x100xf32, #tpu.memory_space<hbm>>
      tpu.wait_dma2 semaphore(%run_scoped3A : memref<!tpu.dma_semaphore, #tpu.memory_space<semaphore_mem>>) src(%arg6 : memref<512x100xf32, #tpu.memory_space<vmem>>) dst(%dma_wait3A_17 : memref<512x100xf32, #tpu.memory_space<hbm>>)
      tpu.yield
    }) : () -> ()
    return
  }
}

module attributes {stable_mosaic.version = 14 : i64} {
  func.func @_mask_body(%arg0: i32, %arg1: memref<512x100xf32, #tpu.memory_space<vmem>>, %arg2: memref<512x101xf32, #tpu.memory_space<vmem>>) attributes {dimension_semantics = [#tpu.dimension_semantics<arbitrary>], iteration_bounds = array<i64: 32>, scalar_prefetch = 0 : i64, scratch_operands = 0 : i64, tpu.core_type = #tpu.core_type<tc>, window_params = [{transform_indices = @transform_0, window_bounds = array<i64: 512, 100>}, {transform_indices = @transform_1, window_bounds = array<i64: 512, 101>}]} {
    %get3A = arith.constant 0 : index
    %get3A_0 = arith.constant 0 : index
    %get3A_1 = vector.load %arg1[%get3A, %get3A_0] : memref<512x100xf32, #tpu.memory_space<vmem>>, vector<512x100xf32>
    %iota3A = tpu.iota {dimensions = array<i32: 1>} : vector<512x100xi32>
    %broadcast_in_dim3A = arith.constant false
    %broadcast_in_dim3A_2 = vector.broadcast %broadcast_in_dim3A : i1 to vector<512x100xi1>
    %reduce_min3A = arith.constant dense<0x7F800000> : vector<512xf32>
    %reduce_min3A_3 = vector.multi_reduction <minimumf>, %get3A_1, %reduce_min3A [1] : vector<512x100xf32> to vector<512xf32>
    %broadcast_in_dim3A_4 = vector.shape_cast %reduce_min3A_3 : vector<512xf32> to vector<512x1xf32>
    %eq3A = vector.broadcast %broadcast_in_dim3A_4 : vector<512x1xf32> to vector<512x100xf32>
    %eq3A_5 = arith.cmpf oeq, %get3A_1, %eq3A : vector<512x100xf32>
    %jit3A = arith.constant -1 : i32
    %broadcast_in_dim3A_6 = vector.broadcast %jit3A : i32 to vector<512x100xi32>
    %select_n3A = arith.select %eq3A_5, %iota3A, %broadcast_in_dim3A_6 : vector<512x100xi1>, vector<512x100xi32>
    %reduce_max3A = arith.constant dense<-2147483648> : vector<512xi32>
    %reduce_max3A_7 = vector.multi_reduction <maxsi>, %select_n3A, %reduce_max3A [1] : vector<512x100xi32> to vector<512xi32>
    %broadcast_in_dim3A_8 = vector.shape_cast %reduce_max3A_7 : vector<512xi32> to vector<512x1xi32>
    %eq3A_9 = vector.broadcast %broadcast_in_dim3A_8 : vector<512x1xi32> to vector<512x100xi32>
    %eq3A_10 = arith.cmpi eq, %iota3A, %eq3A_9 : vector<512x100xi32>
    %or3A = arith.ori %broadcast_in_dim3A_2, %eq3A_10 : vector<512x100xi1>
    %jit3A_11 = arith.constant 0x7F800000 : f32
    %broadcast_in_dim3A_12 = vector.broadcast %jit3A_11 : f32 to vector<512x100xf32>
    %select_n3A_13 = arith.select %eq3A_10, %broadcast_in_dim3A_12, %get3A_1 : vector<512x100xi1>, vector<512x100xf32>
    %reduce_min3A_14 = arith.constant dense<0x7F800000> : vector<512xf32>
    %reduce_min3A_15 = vector.multi_reduction <minimumf>, %select_n3A_13, %reduce_min3A_14 [1] : vector<512x100xf32> to vector<512xf32>
    %broadcast_in_dim3A_16 = vector.shape_cast %reduce_min3A_15 : vector<512xf32> to vector<512x1xf32>
    %eq3A_17 = vector.broadcast %broadcast_in_dim3A_16 : vector<512x1xf32> to vector<512x100xf32>
    %eq3A_18 = arith.cmpf oeq, %select_n3A_13, %eq3A_17 : vector<512x100xf32>
    %jit3A_19 = arith.constant -1 : i32
    %broadcast_in_dim3A_20 = vector.broadcast %jit3A_19 : i32 to vector<512x100xi32>
    %select_n3A_21 = arith.select %eq3A_18, %iota3A, %broadcast_in_dim3A_20 : vector<512x100xi1>, vector<512x100xi32>
    %reduce_max3A_22 = arith.constant dense<-2147483648> : vector<512xi32>
    %reduce_max3A_23 = vector.multi_reduction <maxsi>, %select_n3A_21, %reduce_max3A_22 [1] : vector<512x100xi32> to vector<512xi32>
    %broadcast_in_dim3A_24 = vector.shape_cast %reduce_max3A_23 : vector<512xi32> to vector<512x1xi32>
    %eq3A_25 = vector.broadcast %broadcast_in_dim3A_24 : vector<512x1xi32> to vector<512x100xi32>
    %eq3A_26 = arith.cmpi eq, %iota3A, %eq3A_25 : vector<512x100xi32>
    %or3A_27 = arith.ori %or3A, %eq3A_26 : vector<512x100xi1>
    %jit3A_28 = arith.constant 0x7F800000 : f32
    %broadcast_in_dim3A_29 = vector.broadcast %jit3A_28 : f32 to vector<512x100xf32>
    %select_n3A_30 = arith.select %eq3A_26, %broadcast_in_dim3A_29, %select_n3A_13 : vector<512x100xi1>, vector<512x100xf32>
    %reduce_min3A_31 = arith.constant dense<0x7F800000> : vector<512xf32>
    %reduce_min3A_32 = vector.multi_reduction <minimumf>, %select_n3A_30, %reduce_min3A_31 [1] : vector<512x100xf32> to vector<512xf32>
    %broadcast_in_dim3A_33 = vector.shape_cast %reduce_min3A_32 : vector<512xf32> to vector<512x1xf32>
    %eq3A_34 = vector.broadcast %broadcast_in_dim3A_33 : vector<512x1xf32> to vector<512x100xf32>
    %eq3A_35 = arith.cmpf oeq, %select_n3A_30, %eq3A_34 : vector<512x100xf32>
    %jit3A_36 = arith.constant -1 : i32
    %broadcast_in_dim3A_37 = vector.broadcast %jit3A_36 : i32 to vector<512x100xi32>
    %select_n3A_38 = arith.select %eq3A_35, %iota3A, %broadcast_in_dim3A_37 : vector<512x100xi1>, vector<512x100xi32>
    %reduce_max3A_39 = arith.constant dense<-2147483648> : vector<512xi32>
    %reduce_max3A_40 = vector.multi_reduction <maxsi>, %select_n3A_38, %reduce_max3A_39 [1] : vector<512x100xi32> to vector<512xi32>
    %broadcast_in_dim3A_41 = vector.shape_cast %reduce_max3A_40 : vector<512xi32> to vector<512x1xi32>
    %eq3A_42 = vector.broadcast %broadcast_in_dim3A_41 : vector<512x1xi32> to vector<512x100xi32>
    %eq3A_43 = arith.cmpi eq, %iota3A, %eq3A_42 : vector<512x100xi32>
    %or3A_44 = arith.ori %or3A_27, %eq3A_43 : vector<512x100xi1>
    %jit3A_45 = arith.constant 0x7F800000 : f32
    %broadcast_in_dim3A_46 = vector.broadcast %jit3A_45 : f32 to vector<512x100xf32>
    %select_n3A_47 = arith.select %eq3A_43, %broadcast_in_dim3A_46, %select_n3A_30 : vector<512x100xi1>, vector<512x100xf32>
    %reduce_min3A_48 = arith.constant dense<0x7F800000> : vector<512xf32>
    %reduce_min3A_49 = vector.multi_reduction <minimumf>, %select_n3A_47, %reduce_min3A_48 [1] : vector<512x100xf32> to vector<512xf32>
    %broadcast_in_dim3A_50 = vector.shape_cast %reduce_min3A_49 : vector<512xf32> to vector<512x1xf32>
    %eq3A_51 = vector.broadcast %broadcast_in_dim3A_50 : vector<512x1xf32> to vector<512x100xf32>
    %eq3A_52 = arith.cmpf oeq, %select_n3A_47, %eq3A_51 : vector<512x100xf32>
    %jit3A_53 = arith.constant -1 : i32
    %broadcast_in_dim3A_54 = vector.broadcast %jit3A_53 : i32 to vector<512x100xi32>
    %select_n3A_55 = arith.select %eq3A_52, %iota3A, %broadcast_in_dim3A_54 : vector<512x100xi1>, vector<512x100xi32>
    %reduce_max3A_56 = arith.constant dense<-2147483648> : vector<512xi32>
    %reduce_max3A_57 = vector.multi_reduction <maxsi>, %select_n3A_55, %reduce_max3A_56 [1] : vector<512x100xi32> to vector<512xi32>
    %broadcast_in_dim3A_58 = vector.shape_cast %reduce_max3A_57 : vector<512xi32> to vector<512x1xi32>
    %eq3A_59 = vector.broadcast %broadcast_in_dim3A_58 : vector<512x1xi32> to vector<512x100xi32>
    %eq3A_60 = arith.cmpi eq, %iota3A, %eq3A_59 : vector<512x100xi32>
    %or3A_61 = arith.ori %or3A_44, %eq3A_60 : vector<512x100xi1>
    %jit3A_62 = arith.constant 0x7F800000 : f32
    %broadcast_in_dim3A_63 = vector.broadcast %jit3A_62 : f32 to vector<512x100xf32>
    %select_n3A_64 = arith.select %eq3A_60, %broadcast_in_dim3A_63, %select_n3A_47 : vector<512x100xi1>, vector<512x100xf32>
    %reduce_min3A_65 = arith.constant dense<0x7F800000> : vector<512xf32>
    %reduce_min3A_66 = vector.multi_reduction <minimumf>, %select_n3A_64, %reduce_min3A_65 [1] : vector<512x100xf32> to vector<512xf32>
    %broadcast_in_dim3A_67 = vector.shape_cast %reduce_min3A_66 : vector<512xf32> to vector<512x1xf32>
    %eq3A_68 = vector.broadcast %broadcast_in_dim3A_67 : vector<512x1xf32> to vector<512x100xf32>
    %eq3A_69 = arith.cmpf oeq, %select_n3A_64, %eq3A_68 : vector<512x100xf32>
    %jit3A_70 = arith.constant -1 : i32
    %broadcast_in_dim3A_71 = vector.broadcast %jit3A_70 : i32 to vector<512x100xi32>
    %select_n3A_72 = arith.select %eq3A_69, %iota3A, %broadcast_in_dim3A_71 : vector<512x100xi1>, vector<512x100xi32>
    %reduce_max3A_73 = arith.constant dense<-2147483648> : vector<512xi32>
    %reduce_max3A_74 = vector.multi_reduction <maxsi>, %select_n3A_72, %reduce_max3A_73 [1] : vector<512x100xi32> to vector<512xi32>
    %broadcast_in_dim3A_75 = vector.shape_cast %reduce_max3A_74 : vector<512xi32> to vector<512x1xi32>
    %eq3A_76 = vector.broadcast %broadcast_in_dim3A_75 : vector<512x1xi32> to vector<512x100xi32>
    %eq3A_77 = arith.cmpi eq, %iota3A, %eq3A_76 : vector<512x100xi32>
    %or3A_78 = arith.ori %or3A_61, %eq3A_77 : vector<512x100xi1>
    %jit3A_79 = arith.constant 0x7F800000 : f32
    %broadcast_in_dim3A_80 = vector.broadcast %jit3A_79 : f32 to vector<512x100xf32>
    %select_n3A_81 = arith.select %eq3A_77, %broadcast_in_dim3A_80, %select_n3A_64 : vector<512x100xi1>, vector<512x100xf32>
    %reduce_min3A_82 = arith.constant dense<0x7F800000> : vector<512xf32>
    %reduce_min3A_83 = vector.multi_reduction <minimumf>, %select_n3A_81, %reduce_min3A_82 [1] : vector<512x100xf32> to vector<512xf32>
    %broadcast_in_dim3A_84 = vector.shape_cast %reduce_min3A_83 : vector<512xf32> to vector<512x1xf32>
    %eq3A_85 = vector.broadcast %broadcast_in_dim3A_84 : vector<512x1xf32> to vector<512x100xf32>
    %eq3A_86 = arith.cmpf oeq, %select_n3A_81, %eq3A_85 : vector<512x100xf32>
    %jit3A_87 = arith.constant -1 : i32
    %broadcast_in_dim3A_88 = vector.broadcast %jit3A_87 : i32 to vector<512x100xi32>
    %select_n3A_89 = arith.select %eq3A_86, %iota3A, %broadcast_in_dim3A_88 : vector<512x100xi1>, vector<512x100xi32>
    %reduce_max3A_90 = arith.constant dense<-2147483648> : vector<512xi32>
    %reduce_max3A_91 = vector.multi_reduction <maxsi>, %select_n3A_89, %reduce_max3A_90 [1] : vector<512x100xi32> to vector<512xi32>
    %broadcast_in_dim3A_92 = vector.shape_cast %reduce_max3A_91 : vector<512xi32> to vector<512x1xi32>
    %eq3A_93 = vector.broadcast %broadcast_in_dim3A_92 : vector<512x1xi32> to vector<512x100xi32>
    %eq3A_94 = arith.cmpi eq, %iota3A, %eq3A_93 : vector<512x100xi32>
    %or3A_95 = arith.ori %or3A_78, %eq3A_94 : vector<512x100xi1>
    %jit3A_96 = arith.constant 0x7F800000 : f32
    %broadcast_in_dim3A_97 = vector.broadcast %jit3A_96 : f32 to vector<512x100xf32>
    %select_n3A_98 = arith.select %eq3A_94, %broadcast_in_dim3A_97, %select_n3A_81 : vector<512x100xi1>, vector<512x100xf32>
    %reduce_min3A_99 = arith.constant dense<0x7F800000> : vector<512xf32>
    %reduce_min3A_100 = vector.multi_reduction <minimumf>, %select_n3A_98, %reduce_min3A_99 [1] : vector<512x100xf32> to vector<512xf32>
    %broadcast_in_dim3A_101 = vector.shape_cast %reduce_min3A_100 : vector<512xf32> to vector<512x1xf32>
    %eq3A_102 = vector.broadcast %broadcast_in_dim3A_101 : vector<512x1xf32> to vector<512x100xf32>
    %eq3A_103 = arith.cmpf oeq, %select_n3A_98, %eq3A_102 : vector<512x100xf32>
    %jit3A_104 = arith.constant -1 : i32
    %broadcast_in_dim3A_105 = vector.broadcast %jit3A_104 : i32 to vector<512x100xi32>
    %select_n3A_106 = arith.select %eq3A_103, %iota3A, %broadcast_in_dim3A_105 : vector<512x100xi1>, vector<512x100xi32>
    %reduce_max3A_107 = arith.constant dense<-2147483648> : vector<512xi32>
    %reduce_max3A_108 = vector.multi_reduction <maxsi>, %select_n3A_106, %reduce_max3A_107 [1] : vector<512x100xi32> to vector<512xi32>
    %broadcast_in_dim3A_109 = vector.shape_cast %reduce_max3A_108 : vector<512xi32> to vector<512x1xi32>
    %eq3A_110 = vector.broadcast %broadcast_in_dim3A_109 : vector<512x1xi32> to vector<512x100xi32>
    %eq3A_111 = arith.cmpi eq, %iota3A, %eq3A_110 : vector<512x100xi32>
    %or3A_112 = arith.ori %or3A_95, %eq3A_111 : vector<512x100xi1>
    %jit3A_113 = arith.constant 0x7F800000 : f32
    %broadcast_in_dim3A_114 = vector.broadcast %jit3A_113 : f32 to vector<512x100xf32>
    %select_n3A_115 = arith.select %eq3A_111, %broadcast_in_dim3A_114, %select_n3A_98 : vector<512x100xi1>, vector<512x100xf32>
    %reduce_min3A_116 = arith.constant dense<0x7F800000> : vector<512xf32>
    %reduce_min3A_117 = vector.multi_reduction <minimumf>, %select_n3A_115, %reduce_min3A_116 [1] : vector<512x100xf32> to vector<512xf32>
    %broadcast_in_dim3A_118 = vector.shape_cast %reduce_min3A_117 : vector<512xf32> to vector<512x1xf32>
    %eq3A_119 = vector.broadcast %broadcast_in_dim3A_118 : vector<512x1xf32> to vector<512x100xf32>
    %eq3A_120 = arith.cmpf oeq, %select_n3A_115, %eq3A_119 : vector<512x100xf32>
    %jit3A_121 = arith.constant -1 : i32
    %broadcast_in_dim3A_122 = vector.broadcast %jit3A_121 : i32 to vector<512x100xi32>
    %select_n3A_123 = arith.select %eq3A_120, %iota3A, %broadcast_in_dim3A_122 : vector<512x100xi1>, vector<512x100xi32>
    %reduce_max3A_124 = arith.constant dense<-2147483648> : vector<512xi32>
    %reduce_max3A_125 = vector.multi_reduction <maxsi>, %select_n3A_123, %reduce_max3A_124 [1] : vector<512x100xi32> to vector<512xi32>
    %broadcast_in_dim3A_126 = vector.shape_cast %reduce_max3A_125 : vector<512xi32> to vector<512x1xi32>
    %eq3A_127 = vector.broadcast %broadcast_in_dim3A_126 : vector<512x1xi32> to vector<512x100xi32>
    %eq3A_128 = arith.cmpi eq, %iota3A, %eq3A_127 : vector<512x100xi32>
    %or3A_129 = arith.ori %or3A_112, %eq3A_128 : vector<512x100xi1>
    %jit3A_130 = arith.constant 0x7F800000 : f32
    %broadcast_in_dim3A_131 = vector.broadcast %jit3A_130 : f32 to vector<512x100xf32>
    %select_n3A_132 = arith.select %eq3A_128, %broadcast_in_dim3A_131, %select_n3A_115 : vector<512x100xi1>, vector<512x100xf32>
    %reduce_min3A_133 = arith.constant dense<0x7F800000> : vector<512xf32>
    %reduce_min3A_134 = vector.multi_reduction <minimumf>, %select_n3A_132, %reduce_min3A_133 [1] : vector<512x100xf32> to vector<512xf32>
    %broadcast_in_dim3A_135 = vector.shape_cast %reduce_min3A_134 : vector<512xf32> to vector<512x1xf32>
    %eq3A_136 = vector.broadcast %broadcast_in_dim3A_135 : vector<512x1xf32> to vector<512x100xf32>
    %eq3A_137 = arith.cmpf oeq, %select_n3A_132, %eq3A_136 : vector<512x100xf32>
    %jit3A_138 = arith.constant -1 : i32
    %broadcast_in_dim3A_139 = vector.broadcast %jit3A_138 : i32 to vector<512x100xi32>
    %select_n3A_140 = arith.select %eq3A_137, %iota3A, %broadcast_in_dim3A_139 : vector<512x100xi1>, vector<512x100xi32>
    %reduce_max3A_141 = arith.constant dense<-2147483648> : vector<512xi32>
    %reduce_max3A_142 = vector.multi_reduction <maxsi>, %select_n3A_140, %reduce_max3A_141 [1] : vector<512x100xi32> to vector<512xi32>
    %broadcast_in_dim3A_143 = vector.shape_cast %reduce_max3A_142 : vector<512xi32> to vector<512x1xi32>
    %eq3A_144 = vector.broadcast %broadcast_in_dim3A_143 : vector<512x1xi32> to vector<512x100xi32>
    %eq3A_145 = arith.cmpi eq, %iota3A, %eq3A_144 : vector<512x100xi32>
    %or3A_146 = arith.ori %or3A_129, %eq3A_145 : vector<512x100xi1>
    %jit3A_147 = arith.constant 0x7F800000 : f32
    %broadcast_in_dim3A_148 = vector.broadcast %jit3A_147 : f32 to vector<512x100xf32>
    %select_n3A_149 = arith.select %eq3A_145, %broadcast_in_dim3A_148, %select_n3A_132 : vector<512x100xi1>, vector<512x100xf32>
    %reduce_min3A_150 = arith.constant dense<0x7F800000> : vector<512xf32>
    %reduce_min3A_151 = vector.multi_reduction <minimumf>, %select_n3A_149, %reduce_min3A_150 [1] : vector<512x100xf32> to vector<512xf32>
    %broadcast_in_dim3A_152 = vector.shape_cast %reduce_min3A_151 : vector<512xf32> to vector<512x1xf32>
    %eq3A_153 = vector.broadcast %broadcast_in_dim3A_152 : vector<512x1xf32> to vector<512x100xf32>
    %eq3A_154 = arith.cmpf oeq, %select_n3A_149, %eq3A_153 : vector<512x100xf32>
    %jit3A_155 = arith.constant -1 : i32
    %broadcast_in_dim3A_156 = vector.broadcast %jit3A_155 : i32 to vector<512x100xi32>
    %select_n3A_157 = arith.select %eq3A_154, %iota3A, %broadcast_in_dim3A_156 : vector<512x100xi1>, vector<512x100xi32>
    %reduce_max3A_158 = arith.constant dense<-2147483648> : vector<512xi32>
    %reduce_max3A_159 = vector.multi_reduction <maxsi>, %select_n3A_157, %reduce_max3A_158 [1] : vector<512x100xi32> to vector<512xi32>
    %broadcast_in_dim3A_160 = vector.shape_cast %reduce_max3A_159 : vector<512xi32> to vector<512x1xi32>
    %eq3A_161 = vector.broadcast %broadcast_in_dim3A_160 : vector<512x1xi32> to vector<512x100xi32>
    %eq3A_162 = arith.cmpi eq, %iota3A, %eq3A_161 : vector<512x100xi32>
    %or3A_163 = arith.ori %or3A_146, %eq3A_162 : vector<512x100xi1>
    %jit3A_164 = arith.constant 0x7F800000 : f32
    %broadcast_in_dim3A_165 = vector.broadcast %jit3A_164 : f32 to vector<512x100xf32>
    %select_n3A_166 = arith.select %eq3A_162, %broadcast_in_dim3A_165, %select_n3A_149 : vector<512x100xi1>, vector<512x100xf32>
    %reduce_min3A_167 = arith.constant dense<0x7F800000> : vector<512xf32>
    %reduce_min3A_168 = vector.multi_reduction <minimumf>, %select_n3A_166, %reduce_min3A_167 [1] : vector<512x100xf32> to vector<512xf32>
    %broadcast_in_dim3A_169 = vector.shape_cast %reduce_min3A_168 : vector<512xf32> to vector<512x1xf32>
    %eq3A_170 = vector.broadcast %broadcast_in_dim3A_169 : vector<512x1xf32> to vector<512x100xf32>
    %eq3A_171 = arith.cmpf oeq, %select_n3A_166, %eq3A_170 : vector<512x100xf32>
    %jit3A_172 = arith.constant -1 : i32
    %broadcast_in_dim3A_173 = vector.broadcast %jit3A_172 : i32 to vector<512x100xi32>
    %select_n3A_174 = arith.select %eq3A_171, %iota3A, %broadcast_in_dim3A_173 : vector<512x100xi1>, vector<512x100xi32>
    %reduce_max3A_175 = arith.constant dense<-2147483648> : vector<512xi32>
    %reduce_max3A_176 = vector.multi_reduction <maxsi>, %select_n3A_174, %reduce_max3A_175 [1] : vector<512x100xi32> to vector<512xi32>
    %broadcast_in_dim3A_177 = vector.shape_cast %reduce_max3A_176 : vector<512xi32> to vector<512x1xi32>
    %eq3A_178 = vector.broadcast %broadcast_in_dim3A_177 : vector<512x1xi32> to vector<512x100xi32>
    %eq3A_179 = arith.cmpi eq, %iota3A, %eq3A_178 : vector<512x100xi32>
    %or3A_180 = arith.ori %or3A_163, %eq3A_179 : vector<512x100xi1>
    %jit3A_181 = arith.constant 0x7F800000 : f32
    %broadcast_in_dim3A_182 = vector.broadcast %jit3A_181 : f32 to vector<512x100xf32>
    %select_n3A_183 = arith.select %eq3A_179, %broadcast_in_dim3A_182, %select_n3A_166 : vector<512x100xi1>, vector<512x100xf32>
    %reduce_min3A_184 = arith.constant dense<0x7F800000> : vector<512xf32>
    %reduce_min3A_185 = vector.multi_reduction <minimumf>, %select_n3A_183, %reduce_min3A_184 [1] : vector<512x100xf32> to vector<512xf32>
    %broadcast_in_dim3A_186 = vector.shape_cast %reduce_min3A_185 : vector<512xf32> to vector<512x1xf32>
    %eq3A_187 = vector.broadcast %broadcast_in_dim3A_186 : vector<512x1xf32> to vector<512x100xf32>
    %eq3A_188 = arith.cmpf oeq, %select_n3A_183, %eq3A_187 : vector<512x100xf32>
    %jit3A_189 = arith.constant -1 : i32
    %broadcast_in_dim3A_190 = vector.broadcast %jit3A_189 : i32 to vector<512x100xi32>
    %select_n3A_191 = arith.select %eq3A_188, %iota3A, %broadcast_in_dim3A_190 : vector<512x100xi1>, vector<512x100xi32>
    %reduce_max3A_192 = arith.constant dense<-2147483648> : vector<512xi32>
    %reduce_max3A_193 = vector.multi_reduction <maxsi>, %select_n3A_191, %reduce_max3A_192 [1] : vector<512x100xi32> to vector<512xi32>
    %broadcast_in_dim3A_194 = vector.shape_cast %reduce_max3A_193 : vector<512xi32> to vector<512x1xi32>
    %eq3A_195 = vector.broadcast %broadcast_in_dim3A_194 : vector<512x1xi32> to vector<512x100xi32>
    %eq3A_196 = arith.cmpi eq, %iota3A, %eq3A_195 : vector<512x100xi32>
    %or3A_197 = arith.ori %or3A_180, %eq3A_196 : vector<512x100xi1>
    %jit3A_198 = arith.constant 0x7F800000 : f32
    %broadcast_in_dim3A_199 = vector.broadcast %jit3A_198 : f32 to vector<512x100xf32>
    %select_n3A_200 = arith.select %eq3A_196, %broadcast_in_dim3A_199, %select_n3A_183 : vector<512x100xi1>, vector<512x100xf32>
    %reduce_min3A_201 = arith.constant dense<0x7F800000> : vector<512xf32>
    %reduce_min3A_202 = vector.multi_reduction <minimumf>, %select_n3A_200, %reduce_min3A_201 [1] : vector<512x100xf32> to vector<512xf32>
    %broadcast_in_dim3A_203 = vector.shape_cast %reduce_min3A_202 : vector<512xf32> to vector<512x1xf32>
    %eq3A_204 = vector.broadcast %broadcast_in_dim3A_203 : vector<512x1xf32> to vector<512x100xf32>
    %eq3A_205 = arith.cmpf oeq, %select_n3A_200, %eq3A_204 : vector<512x100xf32>
    %jit3A_206 = arith.constant -1 : i32
    %broadcast_in_dim3A_207 = vector.broadcast %jit3A_206 : i32 to vector<512x100xi32>
    %select_n3A_208 = arith.select %eq3A_205, %iota3A, %broadcast_in_dim3A_207 : vector<512x100xi1>, vector<512x100xi32>
    %reduce_max3A_209 = arith.constant dense<-2147483648> : vector<512xi32>
    %reduce_max3A_210 = vector.multi_reduction <maxsi>, %select_n3A_208, %reduce_max3A_209 [1] : vector<512x100xi32> to vector<512xi32>
    %broadcast_in_dim3A_211 = vector.shape_cast %reduce_max3A_210 : vector<512xi32> to vector<512x1xi32>
    %eq3A_212 = vector.broadcast %broadcast_in_dim3A_211 : vector<512x1xi32> to vector<512x100xi32>
    %eq3A_213 = arith.cmpi eq, %iota3A, %eq3A_212 : vector<512x100xi32>
    %or3A_214 = arith.ori %or3A_197, %eq3A_213 : vector<512x100xi1>
    %jit3A_215 = arith.constant 0x7F800000 : f32
    %broadcast_in_dim3A_216 = vector.broadcast %jit3A_215 : f32 to vector<512x100xf32>
    %select_n3A_217 = arith.select %eq3A_213, %broadcast_in_dim3A_216, %select_n3A_200 : vector<512x100xi1>, vector<512x100xf32>
    %reduce_min3A_218 = arith.constant dense<0x7F800000> : vector<512xf32>
    %reduce_min3A_219 = vector.multi_reduction <minimumf>, %select_n3A_217, %reduce_min3A_218 [1] : vector<512x100xf32> to vector<512xf32>
    %broadcast_in_dim3A_220 = vector.shape_cast %reduce_min3A_219 : vector<512xf32> to vector<512x1xf32>
    %eq3A_221 = vector.broadcast %broadcast_in_dim3A_220 : vector<512x1xf32> to vector<512x100xf32>
    %eq3A_222 = arith.cmpf oeq, %select_n3A_217, %eq3A_221 : vector<512x100xf32>
    %jit3A_223 = arith.constant -1 : i32
    %broadcast_in_dim3A_224 = vector.broadcast %jit3A_223 : i32 to vector<512x100xi32>
    %select_n3A_225 = arith.select %eq3A_222, %iota3A, %broadcast_in_dim3A_224 : vector<512x100xi1>, vector<512x100xi32>
    %reduce_max3A_226 = arith.constant dense<-2147483648> : vector<512xi32>
    %reduce_max3A_227 = vector.multi_reduction <maxsi>, %select_n3A_225, %reduce_max3A_226 [1] : vector<512x100xi32> to vector<512xi32>
    %broadcast_in_dim3A_228 = vector.shape_cast %reduce_max3A_227 : vector<512xi32> to vector<512x1xi32>
    %eq3A_229 = vector.broadcast %broadcast_in_dim3A_228 : vector<512x1xi32> to vector<512x100xi32>
    %eq3A_230 = arith.cmpi eq, %iota3A, %eq3A_229 : vector<512x100xi32>
    %or3A_231 = arith.ori %or3A_214, %eq3A_230 : vector<512x100xi1>
    %jit3A_232 = arith.constant 0x7F800000 : f32
    %broadcast_in_dim3A_233 = vector.broadcast %jit3A_232 : f32 to vector<512x100xf32>
    %select_n3A_234 = arith.select %eq3A_230, %broadcast_in_dim3A_233, %select_n3A_217 : vector<512x100xi1>, vector<512x100xf32>
    %reduce_min3A_235 = arith.constant dense<0x7F800000> : vector<512xf32>
    %reduce_min3A_236 = vector.multi_reduction <minimumf>, %select_n3A_234, %reduce_min3A_235 [1] : vector<512x100xf32> to vector<512xf32>
    %broadcast_in_dim3A_237 = vector.shape_cast %reduce_min3A_236 : vector<512xf32> to vector<512x1xf32>
    %eq3A_238 = vector.broadcast %broadcast_in_dim3A_237 : vector<512x1xf32> to vector<512x100xf32>
    %eq3A_239 = arith.cmpf oeq, %select_n3A_234, %eq3A_238 : vector<512x100xf32>
    %jit3A_240 = arith.constant -1 : i32
    %broadcast_in_dim3A_241 = vector.broadcast %jit3A_240 : i32 to vector<512x100xi32>
    %select_n3A_242 = arith.select %eq3A_239, %iota3A, %broadcast_in_dim3A_241 : vector<512x100xi1>, vector<512x100xi32>
    %reduce_max3A_243 = arith.constant dense<-2147483648> : vector<512xi32>
    %reduce_max3A_244 = vector.multi_reduction <maxsi>, %select_n3A_242, %reduce_max3A_243 [1] : vector<512x100xi32> to vector<512xi32>
    %broadcast_in_dim3A_245 = vector.shape_cast %reduce_max3A_244 : vector<512xi32> to vector<512x1xi32>
    %eq3A_246 = vector.broadcast %broadcast_in_dim3A_245 : vector<512x1xi32> to vector<512x100xi32>
    %eq3A_247 = arith.cmpi eq, %iota3A, %eq3A_246 : vector<512x100xi32>
    %or3A_248 = arith.ori %or3A_231, %eq3A_247 : vector<512x100xi1>
    %jit3A_249 = arith.constant 0.000000e+00 : f32
    %jit3A_250 = arith.constant 1.000000e+00 : f32
    %broadcast_in_dim3A_251 = vector.broadcast %jit3A_249 : f32 to vector<512x100xf32>
    %broadcast_in_dim3A_252 = vector.broadcast %jit3A_250 : f32 to vector<512x100xf32>
    %select_n3A_253 = arith.select %or3A_248, %broadcast_in_dim3A_251, %broadcast_in_dim3A_252 : vector<512x100xi1>, vector<512x100xf32>
    %broadcast_in_dim3A_254 = arith.constant 1.000000e+00 : f32
    %broadcast_in_dim3A_255 = vector.broadcast %broadcast_in_dim3A_254 : f32 to vector<512x1xf32>
    %concatenate3A = tpu.concatenate %broadcast_in_dim3A_255, %select_n3A_253 in 1 : vector<512x1xf32>, vector<512x100xf32> -> vector<512x101xf32>
    %swap3A = arith.constant 0 : index
    %swap3A_256 = arith.constant 0 : index
    %swap3A_257 = vector.load %arg2[%swap3A, %swap3A_256] : memref<512x101xf32, #tpu.memory_space<vmem>>, vector<512x101xf32>
    tpu.vector_store %arg2[%swap3A, %swap3A_256], %concatenate3A {strides = array<i32>} : memref<512x101xf32, #tpu.memory_space<vmem>>, vector<512x101xf32>,
    return
  }
  func.func @transform_0(%arg0: i32) -> (i32, i32) {
    %c0_i32 = arith.constant 0 : i32
    %c0_i32_0 = arith.constant 0 : i32
    return %arg0, %c0_i32 : i32, i32
  }
  func.func @transform_1(%arg0: i32) -> (i32, i32) {
    %c0_i32 = arith.constant 0 : i32
    %c0_i32_0 = arith.constant 0 : i32
    return %arg0, %c0_i32 : i32, i32
  }
}

</mosaic_0001>

<sc_bundles>
// kernel: kernel.4.cloned.1.call-start
scs
__scs_entry_jumppad:
0x0: {  	(pc) =	sbr.rel $0x88, $3  }
0x1: {  	(tag) =	ssettag $0x0;
	lr =	simm.s32 $0x1  }
0x2: {  	[smem:$0x3F9F] =	sst lr;
	_ =	strace $0xD0000000  }
0x3: {  	_ = 	snop  }
0x4: {  	_ = 	snop  }
0x5: {  	_ = 	snop  }
0x6: {  	_ = 	snop  }
0x7: {  	_ = 	snop  }
__scs_overlays_trampoline_lowered:
0x8: {  	[smem:$0x3FAE] =	sst s0  }
0x9: {  	[smem:$0x3FAF] =	sst s1  }
0xa: {  	[smem:$0x3FB0] =	sst s2  }
0xb: {  	[smem:$0x3FB1] =	sst s3  }
0xc: {  	[smem:$0x3FB2] =	sst s4  }
0xd: {  	[smem:$0x3FB3] =	sst s5  }
0xe: {  	[smem:$0x3FB4] =	sst s6  }
0xf: {  	[smem:$0x3FB5] =	sst s7  }
0x10: {  	[smem:$0x3FB6] =	sst s8  }
0x11: {  	[smem:$0x3FB7] =	sst s9;
	s0 =	simm.s32 @!p0 $0x0  }
0x12: {  	s1 =	sld [smem:$0x3F9D];
	s0 =	simm.s32 @p0 $0x1  }
0x13: {  	[smem:$0x3FB8] =	sst s0;
	s0 =	simm.s32 @!p1 $0x0  }
0x14: {  	s2 =	sld [smem:$0x3F9C];
	s0 =	simm.s32 @p1 $0x1  }
0x15: {  	[smem:$0x3FB9] =	sst s0;
	s0 =	simm.s32 @!p2 $0x0  }
0x16: {  	s3 =	sld [smem:$0x3FDB];
	s0 =	simm.s32 @p2 $0x1  }
0x17: {  	s4 =	simm.s32 $0x1BF5;
	[smem:$0x3FBB] =	sst s0  }
0x18: {  	s0 =	sld [smem:$0x3F9E];
	_ =	swait.ge [sflag:s4], $0x0  }
0x19: {  	s7 =	sld [smem:$0x3F9F]  }
0x1a: {  	s8 =	sadd.s32 $0xFFFFE003, lr  }
0x1b: {  	s9 =	sadd.s32 $0xFFFFFEF7, lr;
	s5 =	simm.s32 $0xFFFFFFFF;
	p2 =	slt.u32 s8, $0xFFFFF086  }
0x1c: {  	p1 =	slt.u32 s9, $0xF7A;
	s5 =	simm.s32 @!p2 $0x0  }
0x1d: {  	s5 =	simm.s32 @p1 $0x1;
	p0 =	seq.s32 s7, s2  }
0x1e: {  	s7 =	smul.u32 @!p0 $0xF7A, s2;
	p2 =	seq.s32 @!p0 s5, $0x0  }
0x1f: {  	s9 =	smul.u32 $0xF7A, s1;
	s8 =	simm.s32 @!p0 $0x1BF5;
	p2 =	por !p2, p0  }
0x20: {  	[sflag:s8] =	ssyncset.s32 @!p0 $0xFFFFF086;
	s6 =	sadd.s32 @!p0 s3, s7;
	s7 =	simm.s32 @!p0 $0x108  }
0x21: {  	s3 =	sadd.s32 s3, s9;
	s6 =	sadd.s32 @!p0 $0x88, s6;
	s7 =	simm.s32 @p2 $0x1082  }
0x22: {  	[simem:s7], [sflag:s8] =	dma.local @!p0 [hbm:s6], $0xF7A  }
0x23: {  	s9 =	sor.u32 $0xD0000000, s2;
	s6 =	simm.s32 $0x108;
	_ =	swait.ge @!p0 [sflag:s8], $0x0  }
0x24: {  	s3 =	sadd.s32 $0x88, s3;
	s6 =	simm.s32 @!p1 $0x1082;
	[sflag:s4] =	ssyncset.s32 $0xFFFFF086  }
0x25: {  	[simem:s6], [sflag:s4] =	dma.local [hbm:s3], $0xF7A  }
0x26: {  	[smem:$0x3F9F] =	sst s1;
	(tag) =	ssettag s2;
	_ =	strace s9  }
0x27: {  	s1 =	sld [smem:$0x3FAF]  }
0x28: {  	s2 =	sld [smem:$0x3FB0]  }
0x29: {  	s4 =	sld [smem:$0x3FB2]  }
0x2a: {  	p0 =	seq.s32 s5, $0x0;
	s5 =	sld [smem:$0x3FB3]  }
0x2b: {  	s6 =	sld [smem:$0x3FB4]  }
0x2c: {  	s7 =	sld [smem:$0x3FB5]  }
0x2d: {  	s3 =	simm.s32 $0x108;
	s8 =	sld [smem:$0x3FB6]  }
0x2e: {  	s3 =	simm.s32 @!p0 $0x1082;
	s9 =	sld [smem:$0x3FB7]  }
0x2f: {  	lr =	sadd.s32 s0, s3;
	s0 =	sld [smem:$0x3FAE]  }
0x30: {  	s3 =	sld [smem:$0x3FB1]  }
0x31: {  	[smem:$0x3FBA] =	sst s10  }
0x32: {  	s10 =	sld [smem:$0x3FB8];
	_ =	sdelay $0x3  }
0x33: {  	p0 =	seq.s32 s10, $0x1;
	s10 =	sld [smem:$0x3FBA];
	_ =	sdelay $0x3  }
0x34: {  	[smem:$0x3FBA] =	sst s10  }
0x35: {  	s10 =	sld [smem:$0x3FB9];
	_ =	sdelay $0x3  }
0x36: {  	p1 =	seq.s32 s10, $0x1;
	s10 =	sld [smem:$0x3FBA];
	_ =	sdelay $0x3  }
0x37: {  	[smem:$0x3FBA] =	sst s10  }
0x38: {  	s10 =	sld [smem:$0x3FBB]  }
0x39: {  	_ = 	snop;
	(pc) =	sbr.ind lr, $3  }
0x3a: {  	_ = 	snop  }
0x3b: {  	_ = 	snop  }
0x3c: {  	p2 =	seq.s32 s10, $0x1;
	s10 =	sld [smem:$0x3FBA]  }
0x3d: {  	_ =	shalt  }
0x3e: {  	_ =	shalt  }
0x3f: {  	_ =	shalt  }
0x40: {  	_ =	shalt  }
0x41: {  	_ =	shalt  }
0x42: {  	_ =	shalt  }
0x43: {  	_ =	shalt  }
0x44: {  	_ =	shalt  }
0x45: {  	_ =	shalt  }
0x46: {  	_ =	shalt  }
0x47: {  	_ =	shalt  }
0x48: {  	_ =	shalt  }
0x49: {  	_ =	shalt  }
0x4a: {  	_ =	shalt  }
0x4b: {  	_ =	shalt  }
0x4c: {  	_ =	shalt  }
0x4d: {  	_ =	shalt  }
0x4e: {  	_ =	shalt  }
0x4f: {  	_ =	shalt  }
0x50: {  	_ =	shalt  }
0x51: {  	_ =	shalt  }
0x52: {  	_ =	shalt  }
0x53: {  	_ =	shalt  }
0x54: {  	_ =	shalt  }
0x55: {  	_ =	shalt  }
0x56: {  	_ =	shalt  }
0x57: {  	_ =	shalt  }
0x58: {  	_ =	shalt  }
0x59: {  	_ =	shalt  }
0x5a: {  	_ =	shalt  }
0x5b: {  	_ =	shalt  }
0x5c: {  	_ =	shalt  }
0x5d: {  	_ =	shalt  }
0x5e: {  	_ =	shalt  }
0x5f: {  	_ =	shalt  }
0x60: {  	_ =	shalt  }
0x61: {  	_ =	shalt  }
0x62: {  	_ =	shalt  }
0x63: {  	_ =	shalt  }
0x64: {  	_ =	shalt  }
0x65: {  	_ =	shalt  }
0x66: {  	_ =	shalt  }
0x67: {  	_ =	shalt  }
0x68: {  	_ =	shalt  }
0x69: {  	_ =	shalt  }
0x6a: {  	_ =	shalt  }
0x6b: {  	_ =	shalt  }
0x6c: {  	_ =	shalt  }
0x6d: {  	_ =	shalt  }
0x6e: {  	_ =	shalt  }
0x6f: {  	_ =	shalt  }
0x70: {  	_ =	shalt  }
0x71: {  	_ =	shalt  }
0x72: {  	_ =	shalt  }
0x73: {  	_ =	shalt  }
0x74: {  	_ =	shalt  }
0x75: {  	_ =	shalt  }
0x76: {  	_ =	shalt  }
0x77: {  	_ =	shalt  }
0x78: {  	_ =	shalt  }
0x79: {  	_ =	shalt  }
0x7a: {  	_ =	shalt  }
0x7b: {  	_ =	shalt  }
0x7c: {  	_ =	shalt  }
0x7d: {  	_ =	shalt  }
0x7e: {  	_ =	shalt  }
0x7f: {  	_ =	shalt  }
0x80: {  	_ =	shalt  }
0x81: {  	_ =	shalt  }
0x82: {  	_ =	shalt  }
0x83: {  	_ =	shalt  }
0x84: {  	_ =	shalt  }
0x85: {  	_ =	shalt  }
0x86: {  	_ =	shalt  }
0x87: {  	_ =	shalt  }
.Lfunc_end0:
.L_simem_size_0:
called_computation_lowered:
.L_overlay_start_0:
0x88: {  	s2 =	sld [smem:$0x3FD9]  }
0x89: {  	s3 =	sld [smem:$0x3FFE];
	_ =	sdelay $0x1  }
0x8a: {  	s1 =	srdreg.scid  }
0x8b: {  	s0 =	sand.u32 $0x1, s1  }
0x8c: {  	s17 =	sshll.u32 s0, $0xA;
	s2 =	sadd.s32 s3, s2  }
0x8d: {  	s2 =	sadd.s32 s2, s17  }
0x8e: {  	[smem:$0x3FC6] =	sst s2  }
0x8f: {  	_ = 	snop  }
0x90: {  	s2 =	sld [smem:$0x3FD0];
	(tm) =	ssettm $0x1  }
0x91: {  	s18 =	sld [smem:$0x3FFB];
	_ =	sdelay $0x3  }
0x92: {  	_ =	strace s18  }
0x93: {  	s3 =	sld [smem:$0x3FFC];
	_ =	sdelay $0x3  }
0x94: {  	_ =	strace s3  }
0x95: {  	s3 =	sld [smem:$0x3FFD];
	_ =	sdelay $0x3  }
0x96: {  	_ =	strace s3  }
0x97: {  	_ =	strace $0x8FFFFFFF  }
0x98: {  	s19 =	sld [smem:$0x3FDB];
	_ =	sdelay $0x1  }
0x99: {  	s4 =	simm.s32 $_scs_section_size  }
0x9a: {  	s5 =	simm.s32 $_size__tile_overlayer_lowered;
	s6 =	simm.s32 $_tile_overlayer_lowered  }
0x9b: {  	s22 =	simm.s32 $0x1BFF;
	s21 =	sshll.u32 s6, $0x1;
	s3 =	sadd.s32 s4, s19  }
0x9c: {  	s7 =	simm.s32 $0x0;
	s20 =	sshll.u32 s5, $0x1;
	s5 =	sadd.s32 s21, s3  }
0x9d: {  	[timem:s7], [sflag:s22] =	dma.local [hbm:s5], s20  }
0x9e: {  	_ =	swait.ge [sflag:s22], s20  }
0x9f: {  	s4 =	ssub.s32 $0x0, s20;
	[sflag:s22] =	ssyncset.done $0x0  }
0xa0: {  	[sflag:s22] =	ssyncadd.s32 s4;
	_ =	sdelay $0x1  }
0xa1: {  	s23 =	simm.s32 $0x1B8B  }
0xa2: {  	_ =	swait.ge [sflag:s23], $0x1  }
0xa3: {  	[sflag:s23] =	ssyncset.done $0x0  }
0xa4: {  	s25 =	simm.s32 $0x1B8E;
	s24 =	sld [smem:$0x3FFE];
	[sflag:s23] =	ssyncadd.s32 $0xFFFFFFFF  }
0xa5: {  	s26 =	simm.s32 $execute0_lowered;
	[smem:$0x3FD2] =	sst s25  }
0xa6: {  	s5 =	sshll.u32 s26, $0x1;
	_ =	strace $0x80000046;
	[dreg:$0x1] =	wrdreg $0xFFFFFFFF  }
0xa7: {  	s28 =	simm.s32 $_size_execute0_lowered;
	s3 =	sadd.s32 s3, s5;
	[dreg:$0x0] =	wrdreg $0x0  }
0xa8: {  	s5 =	sshll.u32 s28, $0x1;
	[dreg:$0x2] =	wrdreg s3  }
0xa9: {  	[dreg:$0x3] =	wrdreg s5  }
0xaa: {  	[dreg:$0x4] =	wrdreg $0xC0  }
0xab: {  	_ =	task [dreg:s7], $0x5FFFF  }
0xac: {  	[dreg:$0x1] =	wrdreg $0xFFFFFFFF  }
0xad: {  	[dreg:$0x0] =	wrdreg $0x60  }
0xae: {  	[dreg:$0x2] =	wrdreg s24  }
0xaf: {  	[dreg:$0x3] =	wrdreg s2  }
0xb0: {  	[dreg:$0x4] =	wrdreg $0x9  }
0xb1: {  	_ =	task.clear_ibuf [dreg:s7], $0x5FFFF;
	_ =	strace $0x90000046  }
0xb2: {  	s29 =	simm.s32 $0x9;
	_ =	strace $0x80000048  }
0xb3: {  	_ =	swait.ge [sflag:s29], $0x1  }
0xb4: {  	[sflag:s29] =	ssyncadd.s32 $0xFFFFFFFF  }
0xb5: {  	_ =	strace $0x90000048  }
0xb6: {  	_ =	sfence  }
0xb7: {  	s30 =	sld [smem:$0x0];
	_ =	sdelay $0x2  }
0xb8: {  	s31 =	sshll.u32 s1, $0xD;
	s1 =	sshrl.u32 s1, $0x2  }
0xb9: {  	s3 =	sand.u32 $0x4000, s31;
	s1 =	sadd.s32 s1, s30  }
0xba: {  	s0 =	sor.u32 s3, s0;
	s1 =	sshll.u32 s1, $0x11  }
0xbb: {  	s0 =	sor.u32 s1, s0  }
0xbc: {  	s0 =	sadd.s32 $0x8F2B, s0  }
0xbd: {  	[sflag:s0] =	ssyncadd.remote.s32 $0x1  }
0xbe: {  	_ =	sfence.sel $0xFFFF  }
0xbf: {  	[dreg:$0x0] =	wrdreg $0xFFFFFFFF;
	(pc) =	sbr.abs _section_cstart, $3  }
0xc0: {  	[dreg:$0x1] =	wrdreg $0xFFFFFFFF  }
0xc1: {  	_ =	task.clear_ibuf [dreg:s7], $0x2FFFF;
	_ =	strace $0x9FFFFFFF  }
0xc2: {  	(tm) =	ssettm $0x7FFFFFFF  }
0xc3: {  	_ =	shalt  }
tec
execute0_lowered:
.L_overlay_start_1:
0x0: {  	(tag) =	ssettag $0x1  }
0x1: {  	s4 =	rddreg [dreg:$0x0]  }
0x2: {  	s5 =	rddreg [dreg:$0x1];
	s3 =	srdreg.scid  }
0x3: {  	s0 =	stileid.u32;
	s2 =	simm.s32 $0x0;
	s10 =	simm.s32 $0x1  }
0x4: {  	s11 =	simm.s32 $0x200;
	s12 =	simm.s32 $0x0;
	s6 =	sand.u32 $0x1, s3  }
0x5: {  	s28 =	sshll.u32 s0, $0x1;
	[smem:$0x7FF] =	sst s2;
	s3 =	sadd.s32 $0x600, s4  }
0x6: {  	s30 =	sshll.u32 s0, $0x7;
	s7 =	sor.u32 s6, s28;
	_ =	strace $0x80000047  }
0x7: {  	s29 =	ssub.s32 $0x2, s6;
	s6 =	sand.u32 $0x600, s30;
	s8 =	sshll.u32 s7, $0xD  }
0x8: {  	s9 =	sshrl.u32 s29, $0x1;
	s7 =	sshll.u32 s7, $0x4;
	s5 =	sadd.s32 s5, s6  }
0x9: {  	s8 =	sadd.s32 s8, s4;
	s9 =	ssub.s32 s29, s9;
	s31 =	sand.u32 $0x70, s7  }
0xa: {  	s7 =	simm.s32 $0x80;
	s4 =	sadd.s32 s31, s5;
	s5 =	sadd.s32 $0xF42A00, s8  }
0xb: {  	s6 =	smax.u32 s9, $0x1;
	s8 =	simm.s32 $0x400;
	s9 =	simm.s32 $0x2  }
.LBB2_1:
0xc: {  	[tilespmem:s2], [sflag:$0x2] =	stream.strided.gather [hbm4b:s4+s7], $0x200, s8, s7, $0x38;
	[tilespmem:$0x10200] =	vst v63  }
0xd: {  	_ =	swait.ge [sflag:s9], $0x200  }
0xe: {  	[sflag:s9] =	ssyncset.done $0x0  }
0xf: {  	[sflag:s9] =	ssyncadd.s32 $0xFFFFFE00  }
0x10: {  	v0 =	vld [tilespmem:s2+$0x0];
	_ =	sdelay $0x4  }
0x11: {  	v0 =	vshll.u32 v0, $0x4  }
0x12: {  	(v2sf) =	vpush v0, $0x0  }
0x13: {  	(v2sf) =	vpush v0, $0x1  }
0x14: {  	(v2sf) =	vpush v0, $0x2;
	_ =	sdelay $0x1  }
0x15: {  	(v2sf) =	vpush v0, $0x4;
	_ =	sdelay $0x1  }
0x16: {  	(v2sf) =	vpush v0, $0x3  }
0x17: {  	(v2sf) =	vpush v0, $0x5  }
0x18: {  	s14 =	simm.s32 $0x2000;
	s13 =	simm.s32 $0x0;
	s15 =	simm.s32 $0x0;
	(v2sf) =	vpush v0, $0x6  }
.LBB2_2:
0x19: {  	p0 =	sne.s32 s14, $0x3E000  }
0x1a: {  	s25 =	sadd.s32 $0x280, s13;
	s19 =	sadd.s32 $0x780, s13;
	s16 =	smov.u32 s14  }
0x1b: {  	s14 =	sadd.s32 $0x2000, s14;
	s22 =	sadd.s32 $0x580, s13;
	s17 =	sadd.s32 $0x800, s13;
	(v2sf) =	vpush v0, $0x7  }
0x1c: {  	s24 =	sadd.s32 $0x480, s13;
	s21 =	sadd.s32 $0x600, s13;
	s18 =	sadd.s32 $0x880, s13  }
0x1d: {  	s26 =	sadd.s32 $0x200, s13;
	s28 =	sadd.s32 $0x400, s13;
	(v2sf) =	vpush v0, $0x8  }
0x1e: {  	s29 =	sadd.s32 $0x500, s13;
	s15 =	sadd.s32 $0x10, s15  }
0x1f: {  	s30 =	sadd.s32 $0x300, s13;
	s20 =	sadd.s32 $0x700, s13;
	s23 =	spop (v2sf);
	(v2sf) =	vpush v0, $0x9  }
0x20: {  	s31 =	sand.u32 $0x1FFFFFF0, s23;
	s23 =	sadd.s32 $0x680, s13;
	s0 =	spop (v2sf)  }
0x21: {  	s31 =	sadd.s32 s3, s31;
	s0 =	sand.u32 $0x1FFFFFF0, s0;
	s1 =	spop (v2sf);
	(v2sf) =	vpush v0, $0xA  }
0x22: {  	[tilespmem:s26], [sflag:$0x1] =	stream.linear.gather [hbm4b:s31+s2], $0x80, $0x38;
	[tilespmem:$0x10200] =	vst v63  }
0x23: {  	s0 =	sadd.s32 s3, s0;
	s26 =	sadd.s32 $0x380, s13;
	s31 =	spop (v2sf);
	(v2sf) =	vpush v0, $0xB  }
0x24: {  	[tilespmem:s25], [sflag:$0x1] =	stream.linear.gather [hbm4b:s0+s2], $0x80, $0x38;
	[tilespmem:$0x10200] =	vst v63  }
0x25: {  	s0 =	sand.u32 $0x1FFFFFF0, s1;
	s1 =	sand.u32 $0x1FFFFFF0, s31;
	s25 =	spop (v2sf);
	(v2sf) =	vpush v0, $0xC  }
0x26: {  	s0 =	sadd.s32 s3, s0;
	s25 =	sand.u32 $0x1FFFFFF0, s25;
	s31 =	spop (v2sf)  }
0x27: {  	[tilespmem:s30], [sflag:$0x1] =	stream.linear.gather [hbm4b:s0+s2], $0x80, $0x38;
	(v2sf) =	vpush v0, $0xD;
	[tilespmem:$0x10200] =	vst v63  }
0x28: {  	s0 =	sadd.s32 s3, s25;
	s25 =	sand.u32 $0x1FFFFFF0, s31;
	s30 =	spop (v2sf)  }
0x29: {  	[tilespmem:s26], [sflag:$0x1] =	stream.linear.gather [hbm4b:s0+s2], $0x80, $0x38;
	(v2sf) =	vpush v0, $0xE;
	[tilespmem:$0x10200] =	vst v63  }
0x2a: {  	s0 =	sadd.s32 s3, s1;
	s1 =	sand.u32 $0x1FFFFFF0, s30;
	s26 =	spop (v2sf)  }
0x2b: {  	[tilespmem:s28], [sflag:$0x1] =	stream.linear.gather [hbm4b:s0+s2], $0x80, $0x38;
	(v2sf) =	vpush v0, $0xF;
	[tilespmem:$0x10200] =	vst v63  }
0x2c: {  	s0 =	sadd.s32 s3, s25;
	s25 =	sand.u32 $0x1FFFFFF0, s26;
	s26 =	spop (v2sf)  }
0x2d: {  	[tilespmem:s24], [sflag:$0x1] =	stream.linear.gather [hbm4b:s0+s2], $0x80, $0x38;
	[tilespmem:$0x10200] =	vst v63  }
0x2e: {  	s0 =	sadd.s32 s3, s1;
	s1 =	sand.u32 $0x1FFFFFF0, s26;
	s24 =	spop (v2sf)  }
0x2f: {  	[tilespmem:s29], [sflag:$0x1] =	stream.linear.gather [hbm4b:s0+s2], $0x80, $0x38;
	[tilespmem:$0x10200] =	vst v63  }
0x30: {  	s0 =	sadd.s32 s3, s25;
	s24 =	sand.u32 $0x1FFFFFF0, s24;
	s25 =	spop (v2sf)  }
0x31: {  	[tilespmem:s22], [sflag:$0x1] =	stream.linear.gather [hbm4b:s0+s2], $0x80, $0x38;
	[tilespmem:$0x10200] =	vst v63  }
0x32: {  	s0 =	sadd.s32 s3, s1;
	s1 =	sand.u32 $0x1FFFFFF0, s25;
	s22 =	spop (v2sf)  }
0x33: {  	[tilespmem:s21], [sflag:$0x1] =	stream.linear.gather [hbm4b:s0+s2], $0x80, $0x38;
	[tilespmem:$0x10200] =	vst v63  }
0x34: {  	s0 =	sadd.s32 s3, s24;
	s21 =	sand.u32 $0x1FFFFFF0, s22;
	s22 =	spop (v2sf)  }
0x35: {  	[tilespmem:s23], [sflag:$0x1] =	stream.linear.gather [hbm4b:s0+s2], $0x80, $0x38;
	[tilespmem:$0x10200] =	vst v63  }
0x36: {  	s0 =	sadd.s32 s3, s1;
	s1 =	sand.u32 $0x1FFFFFF0, s22;
	s22 =	spop (v2sf)  }
0x37: {  	[tilespmem:s20], [sflag:$0x1] =	stream.linear.gather [hbm4b:s0+s2], $0x80, $0x38;
	[tilespmem:$0x10200] =	vst v63  }
0x38: {  	s0 =	sadd.s32 s3, s21;
	s20 =	sand.u32 $0x1FFFFFF0, s22;
	s21 =	spop (v2sf)  }
0x39: {  	[tilespmem:s19], [sflag:$0x1] =	stream.linear.gather [hbm4b:s0+s2], $0x80, $0x38;
	[tilespmem:$0x10200] =	vst v63  }
0x3a: {  	s0 =	sadd.s32 s3, s1;
	s1 =	sand.u32 $0x1FFFFFF0, s21;
	s19 =	spop (v2sf)  }
0x3b: {  	[tilespmem:s17], [sflag:$0x1] =	stream.linear.gather [hbm4b:s0+s2], $0x80, $0x38;
	[tilespmem:$0x10200] =	vst v63  }
0x3c: {  	s0 =	sadd.s32 s3, s20;
	s17 =	sand.u32 $0x1FFFFFF0, s19  }
0x3d: {  	[tilespmem:s18], [sflag:$0x1] =	stream.linear.gather [hbm4b:s0+s2], $0x80, $0x38;
	[tilespmem:$0x10200] =	vst v63  }
0x3e: {  	s1 =	sadd.s32 s3, s1;
	s0 =	sadd.s32 $0x900, s13  }
0x3f: {  	[tilespmem:s0], [sflag:$0x1] =	stream.linear.gather [hbm4b:s1+s2], $0x80, $0x38;
	[tilespmem:$0x10200] =	vst v63  }
0x40: {  	s0 =	sadd.s32 $0x980, s13;
	s1 =	sadd.s32 s3, s17  }
0x41: {  	[tilespmem:s0], [sflag:$0x1] =	stream.linear.gather [hbm4b:s1+s2], $0x80, $0x38;
	[tilespmem:$0x10200] =	vst v63  }
0x42: {  	v0 =	vld [tilespmem:s15+$0x0];
	_ =	sdelay $0x4  }
0x43: {  	v0 =	vshll.u32 v0, $0x4  }
0x44: {  	(v2sf) =	vpush v0, $0x0  }
0x45: {  	(v2sf) =	vpush v0, $0x1  }
0x46: {  	(v2sf) =	vpush v0, $0x2;
	_ =	sdelay $0x1  }
0x47: {  	(v2sf) =	vpush v0, $0x4  }
.Ltmp0:
0x48: {  	(pc) =	sbr.rel @p0 .LBB2_2-.Ltmp0, $3  }
0x49: {  	(v2sf) =	vpush v0, $0x3  }
0x4a: {  	(v2sf) =	vpush v0, $0x5;
	_ =	sdelay $0x1  }
0x4b: {  	s13 =	sshra.s32 s16, $0x2;
	(v2sf) =	vpush v0, $0x6  }
0x4c: {  	_ =	sdelay $0x1  }
0x4d: {  	s0 =	sadd.s32 $0x280, s13;
	s16 =	sadd.s32 $0x780, s13  }
0x4e: {  	s1 =	sadd.s32 $0x580, s13;
	s14 =	sadd.s32 $0x800, s13;
	(v2sf) =	vpush v0, $0x7;
	s17 =	sadd.s32 $0x480, s13  }
0x4f: {  	s18 =	sadd.s32 $0x600, s13;
	s15 =	sadd.s32 $0x880, s13;
	s19 =	sadd.s32 $0x200, s13  }
0x50: {  	s20 =	sadd.s32 $0x400, s13;
	s21 =	sadd.s32 $0x500, s13;
	(v2sf) =	vpush v0, $0x8;
	s22 =	spop (v2sf)  }
0x51: {  	s23 =	sadd.s32 $0x300, s13;
	s22 =	sand.u32 $0x1FFFFFF0, s22;
	s24 =	spop (v2sf)  }
0x52: {  	(v2sf) =	vpush v0, $0x9;
	s22 =	sadd.s32 s3, s22;
	s24 =	sand.u32 $0x1FFFFFF0, s24;
	s25 =	spop (v2sf)  }
0x53: {  	[tilespmem:s19], [sflag:$0x1] =	stream.linear.gather [hbm4b:s22+s2], $0x80, $0x38;
	[tilespmem:$0x10200] =	vst v63  }
0x54: {  	(v2sf) =	vpush v0, $0xA;
	s26 =	sadd.s32 s3, s24;
	s29 =	sand.u32 $0x1FFFFFF0, s25;
	s28 =	spop (v2sf)  }
0x55: {  	[tilespmem:s0], [sflag:$0x1] =	stream.linear.gather [hbm4b:s26+s2], $0x80, $0x38;
	[tilespmem:$0x10200] =	vst v63  }
0x56: {  	s19 =	sadd.s32 $0x700, s13;
	(v2sf) =	vpush v0, $0xB;
	s22 =	sadd.s32 s3, s29;
	s30 =	spop (v2sf)  }
0x57: {  	s0 =	sadd.s32 $0x680, s13;
	s26 =	sadd.s32 $0x380, s13;
	s25 =	sand.u32 $0x1FFFFFF0, s30  }
0x58: {  	(v2sf) =	vpush v0, $0xC;
	[tilespmem:s23], [sflag:$0x1] =	stream.linear.gather [hbm4b:s22+s2], $0x80, $0x38;
	[tilespmem:$0x10200] =	vst v63  }
0x59: {  	s31 =	sand.u32 $0x1FFFFFF0, s28;
	s28 =	spop (v2sf);
	s29 =	sadd.s32 s3, s25  }
0x5a: {  	(v2sf) =	vpush v0, $0xD;
	[tilespmem:s26], [sflag:$0x1] =	stream.linear.gather [hbm4b:s29+s2], $0x80, $0x38;
	[tilespmem:$0x10200] =	vst v63  }
0x5b: {  	s22 =	sadd.s32 s3, s31;
	s23 =	sand.u32 $0x1FFFFFF0, s28;
	s30 =	spop (v2sf)  }
0x5c: {  	(v2sf) =	vpush v0, $0xE;
	[tilespmem:s20], [sflag:$0x1] =	stream.linear.gather [hbm4b:s22+s2], $0x80, $0x38;
	[tilespmem:$0x10200] =	vst v63  }
0x5d: {  	s23 =	sadd.s32 s3, s23;
	s31 =	sand.u32 $0x1FFFFFF0, s30;
	s24 =	spop (v2sf)  }
0x5e: {  	(v2sf) =	vpush v0, $0xF;
	[tilespmem:s17], [sflag:$0x1] =	stream.linear.gather [hbm4b:s23+s2], $0x80, $0x38;
	[tilespmem:$0x10200] =	vst v63  }
0x5f: {  	s25 =	sand.u32 $0x1FFFFFF0, s24;
	s26 =	spop (v2sf);
	s20 =	sadd.s32 s3, s31  }
0x60: {  	[tilespmem:s21], [sflag:$0x1] =	stream.linear.gather [hbm4b:s20+s2], $0x80, $0x38;
	[tilespmem:$0x10200] =	vst v63  }
0x61: {  	s28 =	sand.u32 $0x1FFFFFF0, s26;
	s17 =	sadd.s32 s3, s25;
	s29 =	spop (v2sf)  }
0x62: {  	[tilespmem:s1], [sflag:$0x1] =	stream.linear.gather [hbm4b:s17+s2], $0x80, $0x38;
	[tilespmem:$0x10200] =	vst v63  }
0x63: {  	s20 =	sadd.s32 s3, s28;
	s30 =	sand.u32 $0x1FFFFFF0, s29;
	s31 =	spop (v2sf)  }
0x64: {  	[tilespmem:s18], [sflag:$0x1] =	stream.linear.gather [hbm4b:s20+s2], $0x80, $0x38;
	[tilespmem:$0x10200] =	vst v63  }
0x65: {  	s17 =	sand.u32 $0x1FFFFFF0, s31;
	s1 =	sadd.s32 s3, s30;
	s20 =	spop (v2sf)  }
0x66: {  	[tilespmem:s0], [sflag:$0x1] =	stream.linear.gather [hbm4b:s1+s2], $0x80, $0x38;
	[tilespmem:$0x10200] =	vst v63  }
0x67: {  	s17 =	sadd.s32 s3, s17;
	s21 =	sand.u32 $0x1FFFFFF0, s20;
	s22 =	spop (v2sf)  }
0x68: {  	[tilespmem:s19], [sflag:$0x1] =	stream.linear.gather [hbm4b:s17+s2], $0x80, $0x38;
	[tilespmem:$0x10200] =	vst v63  }
0x69: {  	s0 =	sadd.s32 s3, s21;
	s1 =	sand.u32 $0x1FFFFFF0, s22;
	s23 =	spop (v2sf)  }
0x6a: {  	[tilespmem:s16], [sflag:$0x1] =	stream.linear.gather [hbm4b:s0+s2], $0x80, $0x38;
	[tilespmem:$0x10200] =	vst v63  }
0x6b: {  	s24 =	sand.u32 $0x1FFFFFF0, s23;
	s1 =	sadd.s32 s3, s1;
	s25 =	spop (v2sf)  }
0x6c: {  	[tilespmem:s14], [sflag:$0x1] =	stream.linear.gather [hbm4b:s1+s2], $0x80, $0x38;
	[tilespmem:$0x10200] =	vst v63  }
0x6d: {  	s26 =	sand.u32 $0x1FFFFFF0, s25;
	s28 =	spop (v2sf);
	s0 =	sadd.s32 s3, s24  }
0x6e: {  	[tilespmem:s15], [sflag:$0x1] =	stream.linear.gather [hbm4b:s0+s2], $0x80, $0x38;
	[tilespmem:$0x10200] =	vst v63  }
0x6f: {  	s30 =	sadd.s32 $0x900, s13;
	s29 =	sand.u32 $0x1FFFFFF0, s28;
	s1 =	sadd.s32 s3, s26  }
0x70: {  	[tilespmem:s30], [sflag:$0x1] =	stream.linear.gather [hbm4b:s1+s2], $0x80, $0x38;
	[tilespmem:$0x10200] =	vst v63  }
0x71: {  	s31 =	sadd.s32 $0x980, s13;
	s0 =	sadd.s32 s3, s29  }
0x72: {  	[tilespmem:s31], [sflag:$0x1] =	stream.linear.gather [hbm4b:s0+s2], $0x80, $0x38;
	[tilespmem:$0x10200] =	vst v63  }
0x73: {  	s12 =	sadd.s32 $0x1, s12;
	_ =	swait.ge [sflag:s10], $0x10000  }
0x74: {  	p0 =	sne.s32 s12, s6;
	[sflag:s10] =	ssyncset.done $0x0  }
.Ltmp1:
0x75: {  	[sflag:s10] =	ssyncadd.s32 $0xFFFF0000;
	(pc) =	sbr.rel @p0 .LBB2_1-.Ltmp1, $4  }
0x76: {  	[hbm4b:s5+s2] =	stream.linear.scatter [tilespmem:s11], [sflag:$0x2], $0x10000, $0x38;
	[tilespmem:$0x10200] =	vst v63  }
0x77: {  	_ =	swait.ge [sflag:s9], $0x10000  }
0x78: {  	[sflag:s9] =	ssyncset.done $0x0  }
0x79: {  	[sflag:s9] =	ssyncadd.s32 $0xFFFF0000  }
0x7a: {  	_ =	sfence.sel $0x180000  }
0x7b: {  	[bflag:$0x0] =	sbarrier.arrive $0xFFFF  }
0x7c: {  	_ =	strace $0x90000047  }
0x7d: {  	s0 =	stileid.u32;
	[bflag:$0x2] =	sbarrier.arrive $0xFFFF  }
0x7e: {  	p0 =	sne.s32 s0, $0x0;
	s0 =	rddreg [dreg:$0x2]  }
0x7f: {  	s0 =	sadd.s32 @!p0 $0x100000, s0  }
0x80: {  	[sflag:s0] =	ssyncadd.tile.s32 @!p0 $0x1;
	_ =	shalt  }
.Lfunc_end2:
_tile_overlayer_lowered:
.L_overlay_start_2:
0x81: {  	(tag) =	ssettag $0x2  }
0x82: {  	s0 =	rddreg [dreg:$0x0];
	s2 =	stileid.u32  }
0x83: {  	s1 =	rddreg [dreg:$0x1];
	p0 =	sne.s32 s2, $0x0  }
0x84: {  	s3 =	rddreg [dreg:$0x2];
	[bflag:$0x3] =	sbarrier.arrive $0xFFFF;
	s2 =	simm.s32 @!p0 $0x1C02  }
0x85: {  	[timem:s3], [sflag:s2] =	dma.local @!p0 [hbm:s0], s1  }
0x86: {  	s0 =	simm.s32 @!p0 $0x2  }
0x87: {  	_ =	swait.ge @!p0 [sflag:s0], s1  }
0x88: {  	s1 =	ssub.s32 @!p0 $0x0, s1;
	[sflag:s0] =	ssyncset.done @!p0 $0x0  }
0x89: {  	[sflag:s0] =	ssyncadd.s32 @!p0 s1  }
0x8a: {  	[bflag:$0x3] =	sbarrier.arrive $0xFFFF  }
0x8b: {  	_ =	shalt  }

</sc_bundles>
